<compile_context>
chip_gen: v7x
topology: tpu7x:2x2x1
jax: 0.10.2.dev20260603
libtpu: 0.0.44.dev20260713+nightly
codegen_flags: <defaults>
</compile_context>

<pallas_src>
import functools

import jax
import jax.numpy as jnp
from jax import lax
from jax.experimental import pallas as pl
from jax.experimental.pallas import tpu as pltpu
from jax.experimental.pallas import tpu_sc as plsc

N_NODES = 10000
N_EDGES = 160000
HIDDEN = 256
HALF = 128
N_RBF = 16

NC = 2
NS = 16
CHUNK = 80
EDGES_PER_SUB = N_EDGES // NS
NCHUNK = EDGES_PER_SUB // CHUNK
N_PAD = 10240
ROWS_PER_SUB = N_PAD // NS


def _silu(x):
    return x * jax.nn.sigmoid(x)


_sc_mesh = plsc.VectorSubcoreMesh(core_axis_name="c", subcore_axis_name="s")


NPAIR = (NCHUNK - 1) // 2


@functools.partial(
    pl.kernel,
    out_type=jax.ShapeDtypeStruct((NC, N_EDGES, HALF), jnp.float32),
    scratch_types=[
        pltpu.VMEM((NCHUNK, CHUNK), jnp.int32),
        pltpu.VMEM((CHUNK, HALF), jnp.float32),
        pltpu.VMEM((CHUNK, HALF), jnp.float32),
        pltpu.SemaphoreType.DMA,
        pltpu.SemaphoreType.DMA,
    ],
    mesh=_sc_mesh,
)
def _sc_gather(hcat_hbm, src2_hbm, out_hbm, idx_v, buf0, buf1, sem0, sem1):
    c = lax.axis_index("c")
    s = lax.axis_index("s")
    pltpu.sync_copy(src2_hbm.at[c, s], idx_v)
    ebase = s * EDGES_PER_SUB
    pltpu.async_copy(hcat_hbm.at[idx_v.at[0]], buf0, sem0)

    def body(t, carry):
        j0 = 2 * t
        pltpu.async_copy(hcat_hbm.at[idx_v.at[j0 + 1]], buf1, sem1)
        pltpu.make_async_copy(hcat_hbm.at[idx_v.at[j0]], buf0, sem0).wait()
        pltpu.sync_copy(buf0, out_hbm.at[c, pl.ds(ebase + j0 * CHUNK, CHUNK)])
        pltpu.async_copy(hcat_hbm.at[idx_v.at[j0 + 2]], buf0, sem0)
        pltpu.make_async_copy(hcat_hbm.at[idx_v.at[j0 + 1]], buf1, sem1).wait()
        pltpu.sync_copy(buf1, out_hbm.at[c, pl.ds(ebase + (j0 + 1) * CHUNK, CHUNK)])
        return carry

    lax.fori_loop(0, NPAIR, body, 0)
    j_last = NCHUNK - 1
    pltpu.make_async_copy(hcat_hbm.at[idx_v.at[j_last]], buf0, sem0).wait()
    pltpu.sync_copy(buf0, out_hbm.at[c, pl.ds(ebase + j_last * CHUNK, CHUNK)])


@functools.partial(
    pl.kernel,
    out_type=jax.ShapeDtypeStruct((NC, N_PAD, HALF), jnp.float32),
    scratch_types=[
        pltpu.VMEM((NCHUNK, CHUNK), jnp.int32),
        pltpu.VMEM((CHUNK, HALF), jnp.float32),
        pltpu.VMEM((CHUNK, HALF), jnp.float32),
        pltpu.VMEM_SHARED((N_PAD, HALF), jnp.float32),
        pltpu.SemaphoreType.DMA,
        pltpu.SemaphoreType.DMA,
    ],
    mesh=_sc_mesh,
)
def _sc_scatter(msg_hbm, dst_hbm, zeros_hbm, out_hbm, idx_v, buf0, buf1, aggr_sh,
                sem0, sem1):
    c = lax.axis_index("c")
    s = lax.axis_index("s")
    pltpu.sync_copy(dst_hbm.at[s], idx_v)
    pltpu.sync_copy(zeros_hbm, aggr_sh.at[pl.ds(s * ROWS_PER_SUB, ROWS_PER_SUB)])
    plsc.subcore_barrier()
    ebase = s * EDGES_PER_SUB
    pltpu.async_copy(msg_hbm.at[c, pl.ds(ebase, CHUNK)], buf0, sem0)

    def body(t, carry):
        j0 = 2 * t
        pltpu.async_copy(msg_hbm.at[c, pl.ds(ebase + (j0 + 1) * CHUNK, CHUNK)],
                         buf1, sem1)
        pltpu.make_async_copy(msg_hbm.at[c, pl.ds(ebase + j0 * CHUNK, CHUNK)],
                              buf0, sem0).wait()
        pltpu.sync_copy(buf0, aggr_sh.at[idx_v.at[j0]], add=True)
        pltpu.async_copy(msg_hbm.at[c, pl.ds(ebase + (j0 + 2) * CHUNK, CHUNK)],
                         buf0, sem0)
        pltpu.make_async_copy(msg_hbm.at[c, pl.ds(ebase + (j0 + 1) * CHUNK, CHUNK)],
                              buf1, sem1).wait()
        pltpu.sync_copy(buf1, aggr_sh.at[idx_v.at[j0 + 1]], add=True)
        return carry

    lax.fori_loop(0, NPAIR, body, 0)
    j_last = NCHUNK - 1
    pltpu.make_async_copy(msg_hbm.at[c, pl.ds(ebase + j_last * CHUNK, CHUNK)],
                          buf0, sem0).wait()
    pltpu.sync_copy(buf0, aggr_sh.at[idx_v.at[j_last]], add=True)
    plsc.subcore_barrier()
    pltpu.sync_copy(
        aggr_sh.at[pl.ds(s * ROWS_PER_SUB, ROWS_PER_SUB)],
        out_hbm.at[c, pl.ds(s * ROWS_PER_SUB, ROWS_PER_SUB)],
    )


BE = 3200


def _msg_body(rbf_ref, hsrc_ref, W1_ref, b1_ref, W2_ref, b2_ref, out_ref):
    g = _silu(jnp.dot(rbf_ref[...], W1_ref[...], preferred_element_type=jnp.float32)
              + b1_ref[...])
    gate = jax.nn.sigmoid(jnp.dot(g, W2_ref[...], preferred_element_type=jnp.float32)
                          + b2_ref[...])
    out_ref[0] = gate[:, :HALF] * hsrc_ref[0]
    out_ref[1] = gate[:, HALF:] * hsrc_ref[1]


def _msg_call(rbf, hsrc2, W1, b1, W2, b2):
    return pl.pallas_call(
        _msg_body,
        grid=(N_EDGES // BE,),
        in_specs=[
            pl.BlockSpec((BE, N_RBF), lambda i: (i, 0)),
            pl.BlockSpec((NC, BE, HALF), lambda i: (0, i, 0)),
            pl.BlockSpec((N_RBF, HIDDEN), lambda i: (0, 0)),
            pl.BlockSpec((1, HIDDEN), lambda i: (0, 0)),
            pl.BlockSpec((HIDDEN, HIDDEN), lambda i: (0, 0)),
            pl.BlockSpec((1, HIDDEN), lambda i: (0, 0)),
        ],
        out_specs=pl.BlockSpec((NC, BE, HALF), lambda i: (0, i, 0)),
        out_shape=jax.ShapeDtypeStruct((NC, N_EDGES, HALF), jnp.float32),
    )(rbf, hsrc2, W1, b1.reshape(1, HIDDEN), W2, b2.reshape(1, HIDDEN))


BN = 2000


def _upd_body(h_ref, aggr_ref, U1a_ref, U1b_ref, c1_ref, U2_ref, c2_ref, out_ref):
    h = h_ref[...]
    acc = jnp.dot(h, U1a_ref[...], preferred_element_type=jnp.float32)
    acc += jnp.dot(aggr_ref[0], U1b_ref[0], preferred_element_type=jnp.float32)
    acc += jnp.dot(aggr_ref[1], U1b_ref[1], preferred_element_type=jnp.float32)
    u = _silu(acc + c1_ref[...])
    out_ref[...] = h + jnp.dot(u, U2_ref[...], preferred_element_type=jnp.float32) \
        + c2_ref[...]


def _upd_call(h, aggr2, U1a, U1b, c1, U2, c2):
    return pl.pallas_call(
        _upd_body,
        grid=(N_NODES // BN,),
        in_specs=[
            pl.BlockSpec((BN, HIDDEN), lambda i: (i, 0)),
            pl.BlockSpec((NC, BN, HALF), lambda i: (0, i, 0)),
            pl.BlockSpec((HIDDEN, HIDDEN), lambda i: (0, 0)),
            pl.BlockSpec((NC, HALF, HIDDEN), lambda i: (0, 0, 0)),
            pl.BlockSpec((1, HIDDEN), lambda i: (0, 0)),
            pl.BlockSpec((HIDDEN, HIDDEN), lambda i: (0, 0)),
            pl.BlockSpec((1, HIDDEN), lambda i: (0, 0)),
        ],
        out_specs=pl.BlockSpec((BN, HIDDEN), lambda i: (i, 0)),
        out_shape=jax.ShapeDtypeStruct((N_NODES, HIDDEN), jnp.float32),
    )(h, aggr2, U1a, U1b, c1.reshape(1, HIDDEN), U2, c2.reshape(1, HIDDEN))


def kernel(h, edge_index, rbf, W1, b1, W2, b2, U1, c1, U2, c2):
    src = edge_index[0]
    dst = edge_index[1]
    hcat = h.reshape(N_NODES, NC, HALF).transpose(1, 0, 2).reshape(NC * N_NODES, HALF)
    src_r = src.reshape(NS, NCHUNK, CHUNK)
    src2 = jnp.stack([src_r, src_r + N_NODES])
    dst_r = dst.reshape(NS, NCHUNK, CHUNK)
    zeros = jnp.zeros((ROWS_PER_SUB, HALF), jnp.float32)

    hsrc2 = _sc_gather(hcat, src2)
    msg2 = _msg_call(rbf, hsrc2, W1, b1, W2, b2)
    aggr2 = _sc_scatter(msg2, dst_r, zeros)

    U1a = U1[:HIDDEN]
    U1b = U1[HIDDEN:].reshape(NC, HALF, HIDDEN)
    return _upd_call(h, aggr2, U1a, U1b, c1, U2, c2)

# --- scband reference (transcript-rebuilt; emitter-appended) ---
"""Pipeline reference for scband-scalar-mpnnlayer-17162689315165 (READ-ONLY COPY).

The authoritative reference and input builder live on the scoring server;
editing this copy changes nothing except your own understanding.
"""

import jax, jax.numpy as jnp
import numpy as np

N_NODES = 10000
N_EDGES = 160000
HIDDEN = 256
N_RBF = 16

def _silu(x):
    return x * jax.nn.sigmoid(x)

def setup_inputs(seed: int = 0) -> dict:
    key = jax.random.key(seed)
    ks = jax.random.split(key, 12)
    h = jax.random.normal(ks[0], (N_NODES, HIDDEN), dtype=jnp.float32)
    edge_index = jax.random.randint(ks[1], (2, N_EDGES), 0, N_NODES, dtype=jnp.int64 if jax.config.jax_enable_x64 else jnp.int32).astype(jnp.int32)
    rbf = jax.random.uniform(ks[2], (N_EDGES, N_RBF), dtype=jnp.float32)
    # edge_net params: Linear(n_rbf, hidden) -> SiLU -> Linear(hidden, hidden) -> Sigmoid
    W1 = jax.random.normal(ks[3], (N_RBF, HIDDEN), dtype=jnp.float32) * (1.0 / np.sqrt(N_RBF))
    b1 = jnp.zeros((HIDDEN,), dtype=jnp.float32)
    W2 = jax.random.normal(ks[4], (HIDDEN, HIDDEN), dtype=jnp.float32) * (1.0 / np.sqrt(HIDDEN))
    b2 = jnp.zeros((HIDDEN,), dtype=jnp.float32)
    # update_net params: Linear(2*hidden, hidden) -> SiLU -> Linear(hidden, hidden)
    U1 = jax.random.normal(ks[5], (2 * HIDDEN, HIDDEN), dtype=jnp.float32) * (1.0 / np.sqrt(2 * HIDDEN))
    c1 = jnp.zeros((HIDDEN,), dtype=jnp.float32)
    U2 = jax.random.normal(ks[6], (HIDDEN, HIDDEN), dtype=jnp.float32) * (1.0 / np.sqrt(HIDDEN))
    c2 = jnp.zeros((HIDDEN,), dtype=jnp.float32)
    return {"h": h, "edge_index": edge_index, "rbf": rbf,
            "W1": W1, "b1": b1, "W2": W2, "b2": b2,
            "U1": U1, "c1": c1, "U2": U2, "c2": c2}

def reference(h, edge_index, rbf, W1, b1, W2, b2, U1, c1, U2, c2):
    src = edge_index[0]
    dst = edge_index[1]
    # edge_net(rbf)
    g = _silu(rbf @ W1 + b1)
    gate = jax.nn.sigmoid(g @ W2 + b2)  # [E, H]
    # message = gate * h[src]
    msg = gate * jnp.take(h, src, axis=0)  # gather on SparseCore
    # scatter-add into aggr by dst
    aggr = jax.ops.segment_sum(msg, dst, num_segments=h.shape[0])
    # update_net(cat([h, aggr]))
    u = _silu(jnp.concatenate([h, aggr], axis=-1) @ U1 + c1)
    upd = u @ U2 + c2
    return h + upd

if __name__ == "__main__":
    import jax
    _d = setup_inputs()
    print(jax.jit(kernel)(*tuple(_d.values())))

</pallas_src>

<mosaic_0001>
#map = affine_map<(d0, d1) -> (0, 0)>
#map1 = affine_map<(d0, d1) -> (0, 0, 0, 0)>
#map2 = affine_map<(d0, d1) -> (0, 0, 0)>
module attributes {stable_mosaic.version = 14 : i64} {
  func.func @_sc_gather(%arg0: i32, %arg1: i32, %arg2: memref<20000x128xf32, #tpu.memory_space<hbm>>, %arg3: memref<2x16x125x80xi32, #tpu.memory_space<hbm>>, %arg4: memref<2x160000x128xf32, #tpu.memory_space<hbm>>, %arg5: memref<125x80xi32, #tpu.memory_space<vmem>>, %arg6: memref<80x128xf32, #tpu.memory_space<vmem>>, %arg7: memref<80x128xf32, #tpu.memory_space<vmem>>, %arg8: memref<!tpu.dma_semaphore, #tpu.memory_space<semaphore_mem>>, %arg9: memref<!tpu.dma_semaphore, #tpu.memory_space<semaphore_mem>>) attributes {dimension_semantics = [#tpu.dimension_semantics<core_parallel>, #tpu.dimension_semantics<subcore_parallel>], iteration_bounds = array<i64: 2, 16>, scalar_prefetch = 0 : i64, scratch_operands = 5 : i64, tpu.core_type = #tpu.core_type<sc_vector_subcore>, window_params = [{transform_indices = #map}, {transform_indices = #map1}, {transform_indices = #map2}]} {
    "tpu.region"() ({
      %run_scoped3A = tpu.sem_alloc : memref<!tpu.dma_semaphore, #tpu.memory_space<semaphore_mem>>
      %dma_start3A_19 = arith.constant 0 : i32
      %dma_start3A_20 = arith.constant 0 : i32
      %dma_start3A_21 = tpu.memref_slice %arg3[%arg0, %arg1, %dma_start3A_19, %dma_start3A_20] : memref<2x16x125x80xi32, #tpu.memory_space<hbm>> -> memref<1x1x125x80xi32, #tpu.memory_space<hbm>>
      %dma_start3A_22 = tpu.memref_squeeze %dma_start3A_21 : memref<1x1x125x80xi32, #tpu.memory_space<hbm>> -> memref<125x80xi32, #tpu.memory_space<hbm>>
      %dma_start3A_23 = arith.constant 0 : i32
      %dma_start3A_24 = arith.constant 0 : i32
      %dma_start3A_25 = tpu.memref_slice %arg3[%arg0, %arg1, %dma_start3A_23, %dma_start3A_24] : memref<2x16x125x80xi32, #tpu.memory_space<hbm>> -> memref<1x1x125x80xi32, #tpu.memory_space<hbm>>
      %dma_start3A_26 = tpu.memref_squeeze %dma_start3A_25 : memref<1x1x125x80xi32, #tpu.memory_space<hbm>> -> memref<125x80xi32, #tpu.memory_space<hbm>>
      tpu.enqueue_dma source(%dma_start3A_26 : memref<125x80xi32, #tpu.memory_space<hbm>>) target(%arg5 : memref<125x80xi32, #tpu.memory_space<vmem>>) target_semaphore(%run_scoped3A : memref<!tpu.dma_semaphore, #tpu.memory_space<semaphore_mem>>)
      %dma_wait3A_27 = arith.constant 0 : i32
      %dma_wait3A_28 = arith.constant 0 : i32
      %dma_wait3A_29 = tpu.memref_slice %arg3[%arg0, %arg1, %dma_wait3A_27, %dma_wait3A_28] : memref<2x16x125x80xi32, #tpu.memory_space<hbm>> -> memref<1x1x125x80xi32, #tpu.memory_space<hbm>>
      %dma_wait3A_30 = tpu.memref_squeeze %dma_wait3A_29 : memref<1x1x125x80xi32, #tpu.memory_space<hbm>> -> memref<125x80xi32, #tpu.memory_space<hbm>>
      %dma_wait3A_31 = arith.constant 0 : i32
      %dma_wait3A_32 = arith.constant 0 : i32
      %dma_wait3A_33 = tpu.memref_slice %arg3[%arg0, %arg1, %dma_wait3A_31, %dma_wait3A_32] : memref<2x16x125x80xi32, #tpu.memory_space<hbm>> -> memref<1x1x125x80xi32, #tpu.memory_space<hbm>>
      %dma_wait3A_34 = tpu.memref_squeeze %dma_wait3A_33 : memref<1x1x125x80xi32, #tpu.memory_space<hbm>> -> memref<125x80xi32, #tpu.memory_space<hbm>>
      tpu.wait_dma2 semaphore(%run_scoped3A : memref<!tpu.dma_semaphore, #tpu.memory_space<semaphore_mem>>) src(%dma_wait3A_34 : memref<125x80xi32, #tpu.memory_space<hbm>>) dst(%arg5 : memref<125x80xi32, #tpu.memory_space<vmem>>)
      tpu.yield
    }) : () -> ()
    %mul3A = arith.constant 10000 : i32
    %mul3A_0 = arith.muli %arg1, %mul3A : i32
    %dma_start3A = arith.constant 0 : i32
    %dma_start3A_1 = arith.constant 0 : i32
    %dma_start3A_2 = tpu.memref_slice %arg5[%dma_start3A, %dma_start3A_1] : memref<125x80xi32, #tpu.memory_space<vmem>> -> memref<1x80xi32, #tpu.memory_space<vmem>>
    %dma_start3A_3 = tpu.memref_squeeze %dma_start3A_2 : memref<1x80xi32, #tpu.memory_space<vmem>> -> memref<80xi32, #tpu.memory_space<vmem>>
    %dma_start3A_4 = arith.constant 0 : i32
    %dma_start3A_5 = arith.constant 0 : i32
    %dma_start3A_6 = tpu.memref_slice %arg2[%dma_start3A_4, %dma_start3A_5] : memref<20000x128xf32, #tpu.memory_space<hbm>> -> memref<20000x128xf32, #tpu.memory_space<hbm>>
    tpu.enqueue_indirect_dma source(%dma_start3A_6 : memref<20000x128xf32, #tpu.memory_space<hbm>>) target(%arg6 : memref<80x128xf32, #tpu.memory_space<vmem>>) offsets(%dma_start3A_3 : memref<80xi32, #tpu.memory_space<vmem>>) semaphore(%arg8 : memref<!tpu.dma_semaphore, #tpu.memory_space<semaphore_mem>>)
    %scan3A = arith.constant 0 : i32
    %scan3A_7 = arith.constant 0 : i32
    %scan3A_8 = arith.constant 62 : i32
    %scan3A_9 = arith.addi %scan3A_7, %scan3A_8 : i32
    %scan3A_10 = arith.constant 1 : i32
    scf.for %scan3A_19 = %scan3A_7 to %scan3A_9 step %scan3A_10  : i32 {
      %mul3A_20 = arith.constant 2 : i32
      %mul3A_21 = arith.muli %mul3A_20, %scan3A_19 : i32
      %add3A_22 = arith.constant 1 : i32
      %add3A_23 = arith.addi %mul3A_21, %add3A_22 : i32
      %dma_start3A_24 = arith.constant 0 : i32
      %dma_start3A_25 = tpu.memref_slice %arg5[%add3A_23, %dma_start3A_24] : memref<125x80xi32, #tpu.memory_space<vmem>> -> memref<1x80xi32, #tpu.memory_space<vmem>>
      %dma_start3A_26 = tpu.memref_squeeze %dma_start3A_25 : memref<1x80xi32, #tpu.memory_space<vmem>> -> memref<80xi32, #tpu.memory_space<vmem>>
      %dma_start3A_27 = arith.constant 0 : i32
      %dma_start3A_28 = arith.constant 0 : i32
      %dma_start3A_29 = tpu.memref_slice %arg2[%dma_start3A_27, %dma_start3A_28] : memref<20000x128xf32, #tpu.memory_space<hbm>> -> memref<20000x128xf32, #tpu.memory_space<hbm>>
      tpu.enqueue_indirect_dma source(%dma_start3A_29 : memref<20000x128xf32, #tpu.memory_space<hbm>>) target(%arg7 : memref<80x128xf32, #tpu.memory_space<vmem>>) offsets(%dma_start3A_26 : memref<80xi32, #tpu.memory_space<vmem>>) semaphore(%arg9 : memref<!tpu.dma_semaphore, #tpu.memory_space<semaphore_mem>>)
      %dma_wait3A_30 = arith.constant 0 : i32
      %dma_wait3A_31 = tpu.memref_slice %arg5[%mul3A_21, %dma_wait3A_30] : memref<125x80xi32, #tpu.memory_space<vmem>> -> memref<1x80xi32, #tpu.memory_space<vmem>>
      %dma_wait3A_32 = tpu.memref_squeeze %dma_wait3A_31 : memref<1x80xi32, #tpu.memory_space<vmem>> -> memref<80xi32, #tpu.memory_space<vmem>>
      %dma_wait3A_33 = arith.constant 0 : i32
      %dma_wait3A_34 = arith.constant 0 : i32
      %dma_wait3A_35 = tpu.memref_slice %arg2[%dma_wait3A_33, %dma_wait3A_34] : memref<20000x128xf32, #tpu.memory_space<hbm>> -> memref<20000x128xf32, #tpu.memory_space<hbm>>
      tpu.wait_indirect_dma semaphore(%arg8 : memref<!tpu.dma_semaphore, #tpu.memory_space<semaphore_mem>>) src(%dma_wait3A_35 : memref<20000x128xf32, #tpu.memory_space<hbm>>) dst(%arg6 : memref<80x128xf32, #tpu.memory_space<vmem>>)
      %mul3A_36 = arith.constant 80 : i32
      %mul3A_37 = arith.muli %mul3A_21, %mul3A_36 : i32
      %add3A_38 = arith.addi %mul3A_0, %mul3A_37 : i32
      "tpu.region"() ({
        %run_scoped3A = tpu.sem_alloc : memref<!tpu.dma_semaphore, #tpu.memory_space<semaphore_mem>>
        %dma_start3A_60 = arith.constant 0 : i32
        %dma_start3A_61 = tpu.memref_slice %arg4[%arg0, %add3A_38, %dma_start3A_60] : memref<2x160000x128xf32, #tpu.memory_space<hbm>> -> memref<1x80x128xf32, #tpu.memory_space<hbm>>
        %dma_start3A_62 = tpu.memref_squeeze %dma_start3A_61 : memref<1x80x128xf32, #tpu.memory_space<hbm>> -> memref<80x128xf32, #tpu.memory_space<hbm>>
        %dma_start3A_63 = arith.constant 0 : i32
        %dma_start3A_64 = tpu.memref_slice %arg4[%arg0, %add3A_38, %dma_start3A_63] : memref<2x160000x128xf32, #tpu.memory_space<hbm>> -> memref<1x80x128xf32, #tpu.memory_space<hbm>>
        %dma_start3A_65 = tpu.memref_squeeze %dma_start3A_64 : memref<1x80x128xf32, #tpu.memory_space<hbm>> -> memref<80x128xf32, #tpu.memory_space<hbm>>
        tpu.enqueue_dma source(%arg6 : memref<80x128xf32, #tpu.memory_space<vmem>>) target(%dma_start3A_65 : memref<80x128xf32, #tpu.memory_space<hbm>>) target_semaphore(%run_scoped3A : memref<!tpu.dma_semaphore, #tpu.memory_space<semaphore_mem>>)
        %dma_wait3A_66 = arith.constant 0 : i32
        %dma_wait3A_67 = tpu.memref_slice %arg4[%arg0, %add3A_38, %dma_wait3A_66] : memref<2x160000x128xf32, #tpu.memory_space<hbm>> -> memref<1x80x128xf32, #tpu.memory_space<hbm>>
        %dma_wait3A_68 = tpu.memref_squeeze %dma_wait3A_67 : memref<1x80x128xf32, #tpu.memory_space<hbm>> -> memref<80x128xf32, #tpu.memory_space<hbm>>
        %dma_wait3A_69 = arith.constant 0 : i32
        %dma_wait3A_70 = tpu.memref_slice %arg4[%arg0, %add3A_38, %dma_wait3A_69] : memref<2x160000x128xf32, #tpu.memory_space<hbm>> -> memref<1x80x128xf32, #tpu.memory_space<hbm>>
        %dma_wait3A_71 = tpu.memref_squeeze %dma_wait3A_70 : memref<1x80x128xf32, #tpu.memory_space<hbm>> -> memref<80x128xf32, #tpu.memory_space<hbm>>
        tpu.wait_dma2 semaphore(%run_scoped3A : memref<!tpu.dma_semaphore, #tpu.memory_space<semaphore_mem>>) src(%arg6 : memref<80x128xf32, #tpu.memory_space<vmem>>) dst(%dma_wait3A_71 : memref<80x128xf32, #tpu.memory_space<hbm>>)
        tpu.yield
      }) : () -> ()
      %add3A_39 = arith.constant 2 : i32
      %add3A_40 = arith.addi %mul3A_21, %add3A_39 : i32
      %dma_start3A_41 = arith.constant 0 : i32
      %dma_start3A_42 = tpu.memref_slice %arg5[%add3A_40, %dma_start3A_41] : memref<125x80xi32, #tpu.memory_space<vmem>> -> memref<1x80xi32, #tpu.memory_space<vmem>>
      %dma_start3A_43 = tpu.memref_squeeze %dma_start3A_42 : memref<1x80xi32, #tpu.memory_space<vmem>> -> memref<80xi32, #tpu.memory_space<vmem>>
      %dma_start3A_44 = arith.constant 0 : i32
      %dma_start3A_45 = arith.constant 0 : i32
      %dma_start3A_46 = tpu.memref_slice %arg2[%dma_start3A_44, %dma_start3A_45] : memref<20000x128xf32, #tpu.memory_space<hbm>> -> memref<20000x128xf32, #tpu.memory_space<hbm>>
      tpu.enqueue_indirect_dma source(%dma_start3A_46 : memref<20000x128xf32, #tpu.memory_space<hbm>>) target(%arg6 : memref<80x128xf32, #tpu.memory_space<vmem>>) offsets(%dma_start3A_43 : memref<80xi32, #tpu.memory_space<vmem>>) semaphore(%arg8 : memref<!tpu.dma_semaphore, #tpu.memory_space<semaphore_mem>>)
      %add3A_47 = arith.constant 1 : i32
      %add3A_48 = arith.addi %mul3A_21, %add3A_47 : i32
      %dma_wait3A_49 = arith.constant 0 : i32
      %dma_wait3A_50 = tpu.memref_slice %arg5[%add3A_48, %dma_wait3A_49] : memref<125x80xi32, #tpu.memory_space<vmem>> -> memref<1x80xi32, #tpu.memory_space<vmem>>
      %dma_wait3A_51 = tpu.memref_squeeze %dma_wait3A_50 : memref<1x80xi32, #tpu.memory_space<vmem>> -> memref<80xi32, #tpu.memory_space<vmem>>
      %dma_wait3A_52 = arith.constant 0 : i32
      %dma_wait3A_53 = arith.constant 0 : i32
      %dma_wait3A_54 = tpu.memref_slice %arg2[%dma_wait3A_52, %dma_wait3A_53] : memref<20000x128xf32, #tpu.memory_space<hbm>> -> memref<20000x128xf32, #tpu.memory_space<hbm>>
      tpu.wait_indirect_dma semaphore(%arg9 : memref<!tpu.dma_semaphore, #tpu.memory_space<semaphore_mem>>) src(%dma_wait3A_54 : memref<20000x128xf32, #tpu.memory_space<hbm>>) dst(%arg7 : memref<80x128xf32, #tpu.memory_space<vmem>>)
      %add3A_55 = arith.constant 1 : i32
      %add3A_56 = arith.addi %mul3A_21, %add3A_55 : i32
      %mul3A_57 = arith.constant 80 : i32
      %mul3A_58 = arith.muli %add3A_56, %mul3A_57 : i32
      %add3A_59 = arith.addi %mul3A_0, %mul3A_58 : i32
      "tpu.region"() ({
        %run_scoped3A = tpu.sem_alloc : memref<!tpu.dma_semaphore, #tpu.memory_space<semaphore_mem>>
        %dma_start3A_60 = arith.constant 0 : i32
        %dma_start3A_61 = tpu.memref_slice %arg4[%arg0, %add3A_59, %dma_start3A_60] : memref<2x160000x128xf32, #tpu.memory_space<hbm>> -> memref<1x80x128xf32, #tpu.memory_space<hbm>>
        %dma_start3A_62 = tpu.memref_squeeze %dma_start3A_61 : memref<1x80x128xf32, #tpu.memory_space<hbm>> -> memref<80x128xf32, #tpu.memory_space<hbm>>
        %dma_start3A_63 = arith.constant 0 : i32
        %dma_start3A_64 = tpu.memref_slice %arg4[%arg0, %add3A_59, %dma_start3A_63] : memref<2x160000x128xf32, #tpu.memory_space<hbm>> -> memref<1x80x128xf32, #tpu.memory_space<hbm>>
        %dma_start3A_65 = tpu.memref_squeeze %dma_start3A_64 : memref<1x80x128xf32, #tpu.memory_space<hbm>> -> memref<80x128xf32, #tpu.memory_space<hbm>>
        tpu.enqueue_dma source(%arg7 : memref<80x128xf32, #tpu.memory_space<vmem>>) target(%dma_start3A_65 : memref<80x128xf32, #tpu.memory_space<hbm>>) target_semaphore(%run_scoped3A : memref<!tpu.dma_semaphore, #tpu.memory_space<semaphore_mem>>)
        %dma_wait3A_66 = arith.constant 0 : i32
        %dma_wait3A_67 = tpu.memref_slice %arg4[%arg0, %add3A_59, %dma_wait3A_66] : memref<2x160000x128xf32, #tpu.memory_space<hbm>> -> memref<1x80x128xf32, #tpu.memory_space<hbm>>
        %dma_wait3A_68 = tpu.memref_squeeze %dma_wait3A_67 : memref<1x80x128xf32, #tpu.memory_space<hbm>> -> memref<80x128xf32, #tpu.memory_space<hbm>>
        %dma_wait3A_69 = arith.constant 0 : i32
        %dma_wait3A_70 = tpu.memref_slice %arg4[%arg0, %add3A_59, %dma_wait3A_69] : memref<2x160000x128xf32, #tpu.memory_space<hbm>> -> memref<1x80x128xf32, #tpu.memory_space<hbm>>
        %dma_wait3A_71 = tpu.memref_squeeze %dma_wait3A_70 : memref<1x80x128xf32, #tpu.memory_space<hbm>> -> memref<80x128xf32, #tpu.memory_space<hbm>>
        tpu.wait_dma2 semaphore(%run_scoped3A : memref<!tpu.dma_semaphore, #tpu.memory_space<semaphore_mem>>) src(%arg7 : memref<80x128xf32, #tpu.memory_space<vmem>>) dst(%dma_wait3A_71 : memref<80x128xf32, #tpu.memory_space<hbm>>)
        tpu.yield
      }) : () -> ()
    }
    %scan3A_11 = arith.constant 62 : i32
    %dma_wait3A = arith.constant 124 : i32
    %dma_wait3A_12 = arith.constant 0 : i32
    %dma_wait3A_13 = tpu.memref_slice %arg5[%dma_wait3A, %dma_wait3A_12] : memref<125x80xi32, #tpu.memory_space<vmem>> -> memref<1x80xi32, #tpu.memory_space<vmem>>
    %dma_wait3A_14 = tpu.memref_squeeze %dma_wait3A_13 : memref<1x80xi32, #tpu.memory_space<vmem>> -> memref<80xi32, #tpu.memory_space<vmem>>
    %dma_wait3A_15 = arith.constant 0 : i32
    %dma_wait3A_16 = arith.constant 0 : i32
    %dma_wait3A_17 = tpu.memref_slice %arg2[%dma_wait3A_15, %dma_wait3A_16] : memref<20000x128xf32, #tpu.memory_space<hbm>> -> memref<20000x128xf32, #tpu.memory_space<hbm>>
    tpu.wait_indirect_dma semaphore(%arg8 : memref<!tpu.dma_semaphore, #tpu.memory_space<semaphore_mem>>) src(%dma_wait3A_17 : memref<20000x128xf32, #tpu.memory_space<hbm>>) dst(%arg6 : memref<80x128xf32, #tpu.memory_space<vmem>>)
    %add3A = arith.constant 9920 : i32
    %add3A_18 = arith.addi %mul3A_0, %add3A : i32
    "tpu.region"() ({
      %run_scoped3A = tpu.sem_alloc : memref<!tpu.dma_semaphore, #tpu.memory_space<semaphore_mem>>
      %dma_start3A_19 = arith.constant 0 : i32
      %dma_start3A_20 = tpu.memref_slice %arg4[%arg0, %add3A_18, %dma_start3A_19] : memref<2x160000x128xf32, #tpu.memory_space<hbm>> -> memref<1x80x128xf32, #tpu.memory_space<hbm>>
      %dma_start3A_21 = tpu.memref_squeeze %dma_start3A_20 : memref<1x80x128xf32, #tpu.memory_space<hbm>> -> memref<80x128xf32, #tpu.memory_space<hbm>>
      %dma_start3A_22 = arith.constant 0 : i32
      %dma_start3A_23 = tpu.memref_slice %arg4[%arg0, %add3A_18, %dma_start3A_22] : memref<2x160000x128xf32, #tpu.memory_space<hbm>> -> memref<1x80x128xf32, #tpu.memory_space<hbm>>
      %dma_start3A_24 = tpu.memref_squeeze %dma_start3A_23 : memref<1x80x128xf32, #tpu.memory_space<hbm>> -> memref<80x128xf32, #tpu.memory_space<hbm>>
      tpu.enqueue_dma source(%arg6 : memref<80x128xf32, #tpu.memory_space<vmem>>) target(%dma_start3A_24 : memref<80x128xf32, #tpu.memory_space<hbm>>) target_semaphore(%run_scoped3A : memref<!tpu.dma_semaphore, #tpu.memory_space<semaphore_mem>>)
      %dma_wait3A_25 = arith.constant 0 : i32
      %dma_wait3A_26 = tpu.memref_slice %arg4[%arg0, %add3A_18, %dma_wait3A_25] : memref<2x160000x128xf32, #tpu.memory_space<hbm>> -> memref<1x80x128xf32, #tpu.memory_space<hbm>>
      %dma_wait3A_27 = tpu.memref_squeeze %dma_wait3A_26 : memref<1x80x128xf32, #tpu.memory_space<hbm>> -> memref<80x128xf32, #tpu.memory_space<hbm>>
      %dma_wait3A_28 = arith.constant 0 : i32
      %dma_wait3A_29 = tpu.memref_slice %arg4[%arg0, %add3A_18, %dma_wait3A_28] : memref<2x160000x128xf32, #tpu.memory_space<hbm>> -> memref<1x80x128xf32, #tpu.memory_space<hbm>>
      %dma_wait3A_30 = tpu.memref_squeeze %dma_wait3A_29 : memref<1x80x128xf32, #tpu.memory_space<hbm>> -> memref<80x128xf32, #tpu.memory_space<hbm>>
      tpu.wait_dma2 semaphore(%run_scoped3A : memref<!tpu.dma_semaphore, #tpu.memory_space<semaphore_mem>>) src(%arg6 : memref<80x128xf32, #tpu.memory_space<vmem>>) dst(%dma_wait3A_30 : memref<80x128xf32, #tpu.memory_space<hbm>>)
      tpu.yield
    }) : () -> ()
    return
  }
}

#map = affine_map<(d0, d1) -> (0, 0, 0)>
#map1 = affine_map<(d0, d1) -> (0, 0)>
module attributes {stable_mosaic.version = 14 : i64} {
  func.func @_sc_scatter(%arg0: i32, %arg1: i32, %arg2: memref<2x160000x128xf32, #tpu.memory_space<hbm>>, %arg3: memref<16x125x80xi32, #tpu.memory_space<hbm>>, %arg4: memref<640x128xf32, #tpu.memory_space<hbm>>, %arg5: memref<2x10240x128xf32, #tpu.memory_space<hbm>>, %arg6: memref<125x80xi32, #tpu.memory_space<vmem>>, %arg7: memref<80x128xf32, #tpu.memory_space<vmem>>, %arg8: memref<80x128xf32, #tpu.memory_space<vmem>>, %arg9: memref<10240x128xf32, #tpu.memory_space<vmem_shared>>, %arg10: memref<!tpu.dma_semaphore, #tpu.memory_space<semaphore_mem>>, %arg11: memref<!tpu.dma_semaphore, #tpu.memory_space<semaphore_mem>>) attributes {dimension_semantics = [#tpu.dimension_semantics<core_parallel>, #tpu.dimension_semantics<subcore_parallel>], iteration_bounds = array<i64: 2, 16>, scalar_prefetch = 0 : i64, scratch_operands = 6 : i64, tpu.core_type = #tpu.core_type<sc_vector_subcore>, window_params = [{transform_indices = #map}, {transform_indices = #map}, {transform_indices = #map1}, {transform_indices = #map}]} {
    "tpu.region"() ({
      %run_scoped3A_24 = tpu.sem_alloc : memref<!tpu.dma_semaphore, #tpu.memory_space<semaphore_mem>>
      %dma_start3A_25 = arith.constant 0 : i32
      %dma_start3A_26 = arith.constant 0 : i32
      %dma_start3A_27 = tpu.memref_slice %arg3[%arg1, %dma_start3A_25, %dma_start3A_26] : memref<16x125x80xi32, #tpu.memory_space<hbm>> -> memref<1x125x80xi32, #tpu.memory_space<hbm>>
      %dma_start3A_28 = tpu.memref_squeeze %dma_start3A_27 : memref<1x125x80xi32, #tpu.memory_space<hbm>> -> memref<125x80xi32, #tpu.memory_space<hbm>>
      %dma_start3A_29 = arith.constant 0 : i32
      %dma_start3A_30 = arith.constant 0 : i32
      %dma_start3A_31 = tpu.memref_slice %arg3[%arg1, %dma_start3A_29, %dma_start3A_30] : memref<16x125x80xi32, #tpu.memory_space<hbm>> -> memref<1x125x80xi32, #tpu.memory_space<hbm>>
      %dma_start3A_32 = tpu.memref_squeeze %dma_start3A_31 : memref<1x125x80xi32, #tpu.memory_space<hbm>> -> memref<125x80xi32, #tpu.memory_space<hbm>>
      tpu.enqueue_dma source(%dma_start3A_32 : memref<125x80xi32, #tpu.memory_space<hbm>>) target(%arg6 : memref<125x80xi32, #tpu.memory_space<vmem>>) target_semaphore(%run_scoped3A_24 : memref<!tpu.dma_semaphore, #tpu.memory_space<semaphore_mem>>)
      %dma_wait3A_33 = arith.constant 0 : i32
      %dma_wait3A_34 = arith.constant 0 : i32
      %dma_wait3A_35 = tpu.memref_slice %arg3[%arg1, %dma_wait3A_33, %dma_wait3A_34] : memref<16x125x80xi32, #tpu.memory_space<hbm>> -> memref<1x125x80xi32, #tpu.memory_space<hbm>>
      %dma_wait3A_36 = tpu.memref_squeeze %dma_wait3A_35 : memref<1x125x80xi32, #tpu.memory_space<hbm>> -> memref<125x80xi32, #tpu.memory_space<hbm>>
      %dma_wait3A_37 = arith.constant 0 : i32
      %dma_wait3A_38 = arith.constant 0 : i32
      %dma_wait3A_39 = tpu.memref_slice %arg3[%arg1, %dma_wait3A_37, %dma_wait3A_38] : memref<16x125x80xi32, #tpu.memory_space<hbm>> -> memref<1x125x80xi32, #tpu.memory_space<hbm>>
      %dma_wait3A_40 = tpu.memref_squeeze %dma_wait3A_39 : memref<1x125x80xi32, #tpu.memory_space<hbm>> -> memref<125x80xi32, #tpu.memory_space<hbm>>
      tpu.wait_dma2 semaphore(%run_scoped3A_24 : memref<!tpu.dma_semaphore, #tpu.memory_space<semaphore_mem>>) src(%dma_wait3A_40 : memref<125x80xi32, #tpu.memory_space<hbm>>) dst(%arg6 : memref<125x80xi32, #tpu.memory_space<vmem>>)
      tpu.yield
    }) : () -> ()
    %mul3A = arith.constant 640 : i32
    %mul3A_0 = arith.muli %arg1, %mul3A : i32
    "tpu.region"() ({
      %run_scoped3A_24 = tpu.sem_alloc : memref<!tpu.dma_semaphore, #tpu.memory_space<semaphore_mem>>
      %dma_start3A_25 = arith.constant 0 : i32
      %dma_start3A_26 = tpu.memref_slice %arg9[%mul3A_0, %dma_start3A_25] : memref<10240x128xf32, #tpu.memory_space<vmem_shared>> -> memref<640x128xf32, #tpu.memory_space<vmem_shared>>
      tpu.enqueue_dma source(%arg4 : memref<640x128xf32, #tpu.memory_space<hbm>>) target(%dma_start3A_26 : memref<640x128xf32, #tpu.memory_space<vmem_shared>>) target_semaphore(%run_scoped3A_24 : memref<!tpu.dma_semaphore, #tpu.memory_space<semaphore_mem>>)
      %dma_wait3A_27 = arith.constant 0 : i32
      %dma_wait3A_28 = tpu.memref_slice %arg9[%mul3A_0, %dma_wait3A_27] : memref<10240x128xf32, #tpu.memory_space<vmem_shared>> -> memref<640x128xf32, #tpu.memory_space<vmem_shared>>
      tpu.wait_dma2 semaphore(%run_scoped3A_24 : memref<!tpu.dma_semaphore, #tpu.memory_space<semaphore_mem>>) src(%arg4 : memref<640x128xf32, #tpu.memory_space<hbm>>) dst(%dma_wait3A_28 : memref<640x128xf32, #tpu.memory_space<vmem_shared>>)
      tpu.yield
    }) : () -> ()
    %barrier3A = arith.constant 0 : index
    tpu.barrier barrier_id(%barrier3A)
    %mul3A_1 = arith.constant 10000 : i32
    %mul3A_2 = arith.muli %arg1, %mul3A_1 : i32
    %dma_start3A = arith.constant 0 : i32
    %dma_start3A_3 = tpu.memref_slice %arg2[%arg0, %mul3A_2, %dma_start3A] : memref<2x160000x128xf32, #tpu.memory_space<hbm>> -> memref<1x80x128xf32, #tpu.memory_space<hbm>>
    %dma_start3A_4 = tpu.memref_squeeze %dma_start3A_3 : memref<1x80x128xf32, #tpu.memory_space<hbm>> -> memref<80x128xf32, #tpu.memory_space<hbm>>
    %dma_start3A_5 = arith.constant 0 : i32
    %dma_start3A_6 = tpu.memref_slice %arg2[%arg0, %mul3A_2, %dma_start3A_5] : memref<2x160000x128xf32, #tpu.memory_space<hbm>> -> memref<1x80x128xf32, #tpu.memory_space<hbm>>
    %dma_start3A_7 = tpu.memref_squeeze %dma_start3A_6 : memref<1x80x128xf32, #tpu.memory_space<hbm>> -> memref<80x128xf32, #tpu.memory_space<hbm>>
    tpu.enqueue_dma source(%dma_start3A_7 : memref<80x128xf32, #tpu.memory_space<hbm>>) target(%arg7 : memref<80x128xf32, #tpu.memory_space<vmem>>) target_semaphore(%arg10 : memref<!tpu.dma_semaphore, #tpu.memory_space<semaphore_mem>>)
    %scan3A = arith.constant 0 : i32
    %scan3A_8 = arith.constant 0 : i32
    %scan3A_9 = arith.constant 62 : i32
    %scan3A_10 = arith.addi %scan3A_8, %scan3A_9 : i32
    %scan3A_11 = arith.constant 1 : i32
    scf.for %scan3A_24 = %scan3A_8 to %scan3A_10 step %scan3A_11  : i32 {
      %mul3A_25 = arith.constant 2 : i32
      %mul3A_26 = arith.muli %mul3A_25, %scan3A_24 : i32
      %add3A_27 = arith.constant 1 : i32
      %add3A_28 = arith.addi %mul3A_26, %add3A_27 : i32
      %mul3A_29 = arith.constant 80 : i32
      %mul3A_30 = arith.muli %add3A_28, %mul3A_29 : i32
      %add3A_31 = arith.addi %mul3A_2, %mul3A_30 : i32
      %dma_start3A_32 = arith.constant 0 : i32
      %dma_start3A_33 = tpu.memref_slice %arg2[%arg0, %add3A_31, %dma_start3A_32] : memref<2x160000x128xf32, #tpu.memory_space<hbm>> -> memref<1x80x128xf32, #tpu.memory_space<hbm>>
      %dma_start3A_34 = tpu.memref_squeeze %dma_start3A_33 : memref<1x80x128xf32, #tpu.memory_space<hbm>> -> memref<80x128xf32, #tpu.memory_space<hbm>>
      %dma_start3A_35 = arith.constant 0 : i32
      %dma_start3A_36 = tpu.memref_slice %arg2[%arg0, %add3A_31, %dma_start3A_35] : memref<2x160000x128xf32, #tpu.memory_space<hbm>> -> memref<1x80x128xf32, #tpu.memory_space<hbm>>
      %dma_start3A_37 = tpu.memref_squeeze %dma_start3A_36 : memref<1x80x128xf32, #tpu.memory_space<hbm>> -> memref<80x128xf32, #tpu.memory_space<hbm>>
      tpu.enqueue_dma source(%dma_start3A_37 : memref<80x128xf32, #tpu.memory_space<hbm>>) target(%arg8 : memref<80x128xf32, #tpu.memory_space<vmem>>) target_semaphore(%arg11 : memref<!tpu.dma_semaphore, #tpu.memory_space<semaphore_mem>>)
      %mul3A_38 = arith.constant 80 : i32
      %mul3A_39 = arith.muli %mul3A_26, %mul3A_38 : i32
      %add3A_40 = arith.addi %mul3A_2, %mul3A_39 : i32
      %dma_wait3A_41 = arith.constant 0 : i32
      %dma_wait3A_42 = tpu.memref_slice %arg2[%arg0, %add3A_40, %dma_wait3A_41] : memref<2x160000x128xf32, #tpu.memory_space<hbm>> -> memref<1x80x128xf32, #tpu.memory_space<hbm>>
      %dma_wait3A_43 = tpu.memref_squeeze %dma_wait3A_42 : memref<1x80x128xf32, #tpu.memory_space<hbm>> -> memref<80x128xf32, #tpu.memory_space<hbm>>
      %dma_wait3A_44 = arith.constant 0 : i32
      %dma_wait3A_45 = tpu.memref_slice %arg2[%arg0, %add3A_40, %dma_wait3A_44] : memref<2x160000x128xf32, #tpu.memory_space<hbm>> -> memref<1x80x128xf32, #tpu.memory_space<hbm>>
      %dma_wait3A_46 = tpu.memref_squeeze %dma_wait3A_45 : memref<1x80x128xf32, #tpu.memory_space<hbm>> -> memref<80x128xf32, #tpu.memory_space<hbm>>
      tpu.wait_dma2 semaphore(%arg10 : memref<!tpu.dma_semaphore, #tpu.memory_space<semaphore_mem>>) src(%dma_wait3A_46 : memref<80x128xf32, #tpu.memory_space<hbm>>) dst(%arg7 : memref<80x128xf32, #tpu.memory_space<vmem>>)
      "tpu.region"() ({
        %run_scoped3A_71 = tpu.sem_alloc : memref<!tpu.dma_semaphore, #tpu.memory_space<semaphore_mem>>
        %dma_start3A_72 = arith.constant 0 : i32
        %dma_start3A_73 = tpu.memref_slice %arg6[%mul3A_26, %dma_start3A_72] : memref<125x80xi32, #tpu.memory_space<vmem>> -> memref<1x80xi32, #tpu.memory_space<vmem>>
        %dma_start3A_74 = tpu.memref_squeeze %dma_start3A_73 : memref<1x80xi32, #tpu.memory_space<vmem>> -> memref<80xi32, #tpu.memory_space<vmem>>
        %dma_start3A_75 = arith.constant 0 : i32
        %dma_start3A_76 = arith.constant 0 : i32
        %dma_start3A_77 = tpu.memref_slice %arg9[%dma_start3A_75, %dma_start3A_76] : memref<10240x128xf32, #tpu.memory_space<vmem_shared>> -> memref<10240x128xf32, #tpu.memory_space<vmem_shared>>
        tpu.enqueue_indirect_dma source(%arg7 : memref<80x128xf32, #tpu.memory_space<vmem>>) target(%dma_start3A_77 : memref<10240x128xf32, #tpu.memory_space<vmem_shared>>) offsets(%dma_start3A_74 : memref<80xi32, #tpu.memory_space<vmem>>) semaphore(%run_scoped3A_71 : memref<!tpu.dma_semaphore, #tpu.memory_space<semaphore_mem>>) {add = true}
        %dma_wait3A_78 = arith.constant 0 : i32
        %dma_wait3A_79 = tpu.memref_slice %arg6[%mul3A_26, %dma_wait3A_78] : memref<125x80xi32, #tpu.memory_space<vmem>> -> memref<1x80xi32, #tpu.memory_space<vmem>>
        %dma_wait3A_80 = tpu.memref_squeeze %dma_wait3A_79 : memref<1x80xi32, #tpu.memory_space<vmem>> -> memref<80xi32, #tpu.memory_space<vmem>>
        %dma_wait3A_81 = arith.constant 0 : i32
        %dma_wait3A_82 = arith.constant 0 : i32
        %dma_wait3A_83 = tpu.memref_slice %arg9[%dma_wait3A_81, %dma_wait3A_82] : memref<10240x128xf32, #tpu.memory_space<vmem_shared>> -> memref<10240x128xf32, #tpu.memory_space<vmem_shared>>
        tpu.wait_indirect_dma semaphore(%run_scoped3A_71 : memref<!tpu.dma_semaphore, #tpu.memory_space<semaphore_mem>>) src(%arg7 : memref<80x128xf32, #tpu.memory_space<vmem>>) dst(%dma_wait3A_83 : memref<10240x128xf32, #tpu.memory_space<vmem_shared>>)
        tpu.yield
      }) : () -> ()
      %add3A_47 = arith.constant 2 : i32
      %add3A_48 = arith.addi %mul3A_26, %add3A_47 : i32
      %mul3A_49 = arith.constant 80 : i32
      %mul3A_50 = arith.muli %add3A_48, %mul3A_49 : i32
      %add3A_51 = arith.addi %mul3A_2, %mul3A_50 : i32
      %dma_start3A_52 = arith.constant 0 : i32
      %dma_start3A_53 = tpu.memref_slice %arg2[%arg0, %add3A_51, %dma_start3A_52] : memref<2x160000x128xf32, #tpu.memory_space<hbm>> -> memref<1x80x128xf32, #tpu.memory_space<hbm>>
      %dma_start3A_54 = tpu.memref_squeeze %dma_start3A_53 : memref<1x80x128xf32, #tpu.memory_space<hbm>> -> memref<80x128xf32, #tpu.memory_space<hbm>>
      %dma_start3A_55 = arith.constant 0 : i32
      %dma_start3A_56 = tpu.memref_slice %arg2[%arg0, %add3A_51, %dma_start3A_55] : memref<2x160000x128xf32, #tpu.memory_space<hbm>> -> memref<1x80x128xf32, #tpu.memory_space<hbm>>
      %dma_start3A_57 = tpu.memref_squeeze %dma_start3A_56 : memref<1x80x128xf32, #tpu.memory_space<hbm>> -> memref<80x128xf32, #tpu.memory_space<hbm>>
      tpu.enqueue_dma source(%dma_start3A_57 : memref<80x128xf32, #tpu.memory_space<hbm>>) target(%arg7 : memref<80x128xf32, #tpu.memory_space<vmem>>) target_semaphore(%arg10 : memref<!tpu.dma_semaphore, #tpu.memory_space<semaphore_mem>>)
      %add3A_58 = arith.constant 1 : i32
      %add3A_59 = arith.addi %mul3A_26, %add3A_58 : i32
      %mul3A_60 = arith.constant 80 : i32
      %mul3A_61 = arith.muli %add3A_59, %mul3A_60 : i32
      %add3A_62 = arith.addi %mul3A_2, %mul3A_61 : i32
      %dma_wait3A_63 = arith.constant 0 : i32
      %dma_wait3A_64 = tpu.memref_slice %arg2[%arg0, %add3A_62, %dma_wait3A_63] : memref<2x160000x128xf32, #tpu.memory_space<hbm>> -> memref<1x80x128xf32, #tpu.memory_space<hbm>>
      %dma_wait3A_65 = tpu.memref_squeeze %dma_wait3A_64 : memref<1x80x128xf32, #tpu.memory_space<hbm>> -> memref<80x128xf32, #tpu.memory_space<hbm>>
      %dma_wait3A_66 = arith.constant 0 : i32
      %dma_wait3A_67 = tpu.memref_slice %arg2[%arg0, %add3A_62, %dma_wait3A_66] : memref<2x160000x128xf32, #tpu.memory_space<hbm>> -> memref<1x80x128xf32, #tpu.memory_space<hbm>>
      %dma_wait3A_68 = tpu.memref_squeeze %dma_wait3A_67 : memref<1x80x128xf32, #tpu.memory_space<hbm>> -> memref<80x128xf32, #tpu.memory_space<hbm>>
      tpu.wait_dma2 semaphore(%arg11 : memref<!tpu.dma_semaphore, #tpu.memory_space<semaphore_mem>>) src(%dma_wait3A_68 : memref<80x128xf32, #tpu.memory_space<hbm>>) dst(%arg8 : memref<80x128xf32, #tpu.memory_space<vmem>>)
      %add3A_69 = arith.constant 1 : i32
      %add3A_70 = arith.addi %mul3A_26, %add3A_69 : i32
      "tpu.region"() ({
        %run_scoped3A_71 = tpu.sem_alloc : memref<!tpu.dma_semaphore, #tpu.memory_space<semaphore_mem>>
        %dma_start3A_72 = arith.constant 0 : i32
        %dma_start3A_73 = tpu.memref_slice %arg6[%add3A_70, %dma_start3A_72] : memref<125x80xi32, #tpu.memory_space<vmem>> -> memref<1x80xi32, #tpu.memory_space<vmem>>
        %dma_start3A_74 = tpu.memref_squeeze %dma_start3A_73 : memref<1x80xi32, #tpu.memory_space<vmem>> -> memref<80xi32, #tpu.memory_space<vmem>>
        %dma_start3A_75 = arith.constant 0 : i32
        %dma_start3A_76 = arith.constant 0 : i32
        %dma_start3A_77 = tpu.memref_slice %arg9[%dma_start3A_75, %dma_start3A_76] : memref<10240x128xf32, #tpu.memory_space<vmem_shared>> -> memref<10240x128xf32, #tpu.memory_space<vmem_shared>>
        tpu.enqueue_indirect_dma source(%arg8 : memref<80x128xf32, #tpu.memory_space<vmem>>) target(%dma_start3A_77 : memref<10240x128xf32, #tpu.memory_space<vmem_shared>>) offsets(%dma_start3A_74 : memref<80xi32, #tpu.memory_space<vmem>>) semaphore(%run_scoped3A_71 : memref<!tpu.dma_semaphore, #tpu.memory_space<semaphore_mem>>) {add = true}
        %dma_wait3A_78 = arith.constant 0 : i32
        %dma_wait3A_79 = tpu.memref_slice %arg6[%add3A_70, %dma_wait3A_78] : memref<125x80xi32, #tpu.memory_space<vmem>> -> memref<1x80xi32, #tpu.memory_space<vmem>>
        %dma_wait3A_80 = tpu.memref_squeeze %dma_wait3A_79 : memref<1x80xi32, #tpu.memory_space<vmem>> -> memref<80xi32, #tpu.memory_space<vmem>>
        %dma_wait3A_81 = arith.constant 0 : i32
        %dma_wait3A_82 = arith.constant 0 : i32
        %dma_wait3A_83 = tpu.memref_slice %arg9[%dma_wait3A_81, %dma_wait3A_82] : memref<10240x128xf32, #tpu.memory_space<vmem_shared>> -> memref<10240x128xf32, #tpu.memory_space<vmem_shared>>
        tpu.wait_indirect_dma semaphore(%run_scoped3A_71 : memref<!tpu.dma_semaphore, #tpu.memory_space<semaphore_mem>>) src(%arg8 : memref<80x128xf32, #tpu.memory_space<vmem>>) dst(%dma_wait3A_83 : memref<10240x128xf32, #tpu.memory_space<vmem_shared>>)
        tpu.yield
      }) : () -> ()
    }
    %scan3A_12 = arith.constant 62 : i32
    %add3A = arith.constant 9920 : i32
    %add3A_13 = arith.addi %mul3A_2, %add3A : i32
    %dma_wait3A = arith.constant 0 : i32
    %dma_wait3A_14 = tpu.memref_slice %arg2[%arg0, %add3A_13, %dma_wait3A] : memref<2x160000x128xf32, #tpu.memory_space<hbm>> -> memref<1x80x128xf32, #tpu.memory_space<hbm>>
    %dma_wait3A_15 = tpu.memref_squeeze %dma_wait3A_14 : memref<1x80x128xf32, #tpu.memory_space<hbm>> -> memref<80x128xf32, #tpu.memory_space<hbm>>
    %dma_wait3A_16 = arith.constant 0 : i32
    %dma_wait3A_17 = tpu.memref_slice %arg2[%arg0, %add3A_13, %dma_wait3A_16] : memref<2x160000x128xf32, #tpu.memory_space<hbm>> -> memref<1x80x128xf32, #tpu.memory_space<hbm>>
    %dma_wait3A_18 = tpu.memref_squeeze %dma_wait3A_17 : memref<1x80x128xf32, #tpu.memory_space<hbm>> -> memref<80x128xf32, #tpu.memory_space<hbm>>
    tpu.wait_dma2 semaphore(%arg10 : memref<!tpu.dma_semaphore, #tpu.memory_space<semaphore_mem>>) src(%dma_wait3A_18 : memref<80x128xf32, #tpu.memory_space<hbm>>) dst(%arg7 : memref<80x128xf32, #tpu.memory_space<vmem>>)
    %run_scoped3A = arith.constant 124 : i32
    "tpu.region"() ({
      %run_scoped3A_24 = tpu.sem_alloc : memref<!tpu.dma_semaphore, #tpu.memory_space<semaphore_mem>>
      %dma_start3A_25 = arith.constant 0 : i32
      %dma_start3A_26 = tpu.memref_slice %arg6[%run_scoped3A, %dma_start3A_25] : memref<125x80xi32, #tpu.memory_space<vmem>> -> memref<1x80xi32, #tpu.memory_space<vmem>>
      %dma_start3A_27 = tpu.memref_squeeze %dma_start3A_26 : memref<1x80xi32, #tpu.memory_space<vmem>> -> memref<80xi32, #tpu.memory_space<vmem>>
      %dma_start3A_28 = arith.constant 0 : i32
      %dma_start3A_29 = arith.constant 0 : i32
      %dma_start3A_30 = tpu.memref_slice %arg9[%dma_start3A_28, %dma_start3A_29] : memref<10240x128xf32, #tpu.memory_space<vmem_shared>> -> memref<10240x128xf32, #tpu.memory_space<vmem_shared>>
      tpu.enqueue_indirect_dma source(%arg7 : memref<80x128xf32, #tpu.memory_space<vmem>>) target(%dma_start3A_30 : memref<10240x128xf32, #tpu.memory_space<vmem_shared>>) offsets(%dma_start3A_27 : memref<80xi32, #tpu.memory_space<vmem>>) semaphore(%run_scoped3A_24 : memref<!tpu.dma_semaphore, #tpu.memory_space<semaphore_mem>>) {add = true}
      %dma_wait3A_31 = arith.constant 0 : i32
      %dma_wait3A_32 = tpu.memref_slice %arg6[%run_scoped3A, %dma_wait3A_31] : memref<125x80xi32, #tpu.memory_space<vmem>> -> memref<1x80xi32, #tpu.memory_space<vmem>>
      %dma_wait3A_33 = tpu.memref_squeeze %dma_wait3A_32 : memref<1x80xi32, #tpu.memory_space<vmem>> -> memref<80xi32, #tpu.memory_space<vmem>>
      %dma_wait3A_34 = arith.constant 0 : i32
      %dma_wait3A_35 = arith.constant 0 : i32
      %dma_wait3A_36 = tpu.memref_slice %arg9[%dma_wait3A_34, %dma_wait3A_35] : memref<10240x128xf32, #tpu.memory_space<vmem_shared>> -> memref<10240x128xf32, #tpu.memory_space<vmem_shared>>
      tpu.wait_indirect_dma semaphore(%run_scoped3A_24 : memref<!tpu.dma_semaphore, #tpu.memory_space<semaphore_mem>>) src(%arg7 : memref<80x128xf32, #tpu.memory_space<vmem>>) dst(%dma_wait3A_36 : memref<10240x128xf32, #tpu.memory_space<vmem_shared>>)
      tpu.yield
    }) : () -> ()
    %barrier3A_19 = arith.constant 0 : index
    tpu.barrier barrier_id(%barrier3A_19)
    %mul3A_20 = arith.constant 640 : i32
    %mul3A_21 = arith.muli %arg1, %mul3A_20 : i32
    %mul3A_22 = arith.constant 640 : i32
    %mul3A_23 = arith.muli %arg1, %mul3A_22 : i32
    "tpu.region"() ({
      %run_scoped3A_24 = tpu.sem_alloc : memref<!tpu.dma_semaphore, #tpu.memory_space<semaphore_mem>>
      %dma_start3A_25 = arith.constant 0 : i32
      %dma_start3A_26 = tpu.memref_slice %arg5[%arg0, %mul3A_23, %dma_start3A_25] : memref<2x10240x128xf32, #tpu.memory_space<hbm>> -> memref<1x640x128xf32, #tpu.memory_space<hbm>>
      %dma_start3A_27 = tpu.memref_squeeze %dma_start3A_26 : memref<1x640x128xf32, #tpu.memory_space<hbm>> -> memref<640x128xf32, #tpu.memory_space<hbm>>
      %dma_start3A_28 = arith.constant 0 : i32
      %dma_start3A_29 = tpu.memref_slice %arg9[%mul3A_21, %dma_start3A_28] : memref<10240x128xf32, #tpu.memory_space<vmem_shared>> -> memref<640x128xf32, #tpu.memory_space<vmem_shared>>
      tpu.enqueue_dma source(%dma_start3A_29 : memref<640x128xf32, #tpu.memory_space<vmem_shared>>) target(%dma_start3A_27 : memref<640x128xf32, #tpu.memory_space<hbm>>) target_semaphore(%run_scoped3A_24 : memref<!tpu.dma_semaphore, #tpu.memory_space<semaphore_mem>>)
      %dma_wait3A_30 = arith.constant 0 : i32
      %dma_wait3A_31 = tpu.memref_slice %arg5[%arg0, %mul3A_23, %dma_wait3A_30] : memref<2x10240x128xf32, #tpu.memory_space<hbm>> -> memref<1x640x128xf32, #tpu.memory_space<hbm>>
      %dma_wait3A_32 = tpu.memref_squeeze %dma_wait3A_31 : memref<1x640x128xf32, #tpu.memory_space<hbm>> -> memref<640x128xf32, #tpu.memory_space<hbm>>
      %dma_wait3A_33 = arith.constant 0 : i32
      %dma_wait3A_34 = tpu.memref_slice %arg9[%mul3A_21, %dma_wait3A_33] : memref<10240x128xf32, #tpu.memory_space<vmem_shared>> -> memref<640x128xf32, #tpu.memory_space<vmem_shared>>
      tpu.wait_dma2 semaphore(%run_scoped3A_24 : memref<!tpu.dma_semaphore, #tpu.memory_space<semaphore_mem>>) src(%dma_wait3A_34 : memref<640x128xf32, #tpu.memory_space<vmem_shared>>) dst(%dma_wait3A_32 : memref<640x128xf32, #tpu.memory_space<hbm>>)
      tpu.yield
    }) : () -> ()
    return
  }
}

module attributes {stable_mosaic.version = 14 : i64} {
  func.func @_msg_body(%arg0: i32, %arg1: memref<3200x16xf32, #tpu.memory_space<vmem>>, %arg2: memref<2x3200x128xf32, #tpu.memory_space<vmem>>, %arg3: memref<16x256xf32, #tpu.memory_space<vmem>>, %arg4: memref<1x256xf32, #tpu.memory_space<vmem>>, %arg5: memref<256x256xf32, #tpu.memory_space<vmem>>, %arg6: memref<1x256xf32, #tpu.memory_space<vmem>>, %arg7: memref<2x3200x128xf32, #tpu.memory_space<vmem>>) attributes {dimension_semantics = [#tpu.dimension_semantics<arbitrary>], iteration_bounds = array<i64: 50>, scalar_prefetch = 0 : i64, scratch_operands = 0 : i64, tpu.core_type = #tpu.core_type<tc>, window_params = [{transform_indices = @transform_0, window_bounds = array<i64: 3200, 16>}, {transform_indices = @transform_1, window_bounds = array<i64: 2, 3200, 128>}, {pipeline_mode = #tpu.pipeline_mode<synchronous>, transform_indices = @transform_2, window_bounds = array<i64: 16, 256>}, {pipeline_mode = #tpu.pipeline_mode<synchronous>, transform_indices = @transform_3, window_bounds = array<i64: 1, 256>}, {pipeline_mode = #tpu.pipeline_mode<synchronous>, transform_indices = @transform_4, window_bounds = array<i64: 256, 256>}, {pipeline_mode = #tpu.pipeline_mode<synchronous>, transform_indices = @transform_5, window_bounds = array<i64: 1, 256>}, {transform_indices = @transform_6, window_bounds = array<i64: 2, 3200, 128>}]} {
    %get3A = arith.constant 0 : index
    %get3A_0 = arith.constant 0 : index
    %get3A_1 = vector.load %arg1[%get3A, %get3A_0] : memref<3200x16xf32, #tpu.memory_space<vmem>>, vector<3200x16xf32>
    %get3A_2 = arith.constant 0 : index
    %get3A_3 = arith.constant 0 : index
    %get3A_4 = vector.load %arg3[%get3A_2, %get3A_3] : memref<16x256xf32, #tpu.memory_space<vmem>>, vector<16x256xf32>
    %dot_general3A = arith.constant dense<0.000000e+00> : vector<3200x256xf32>
    %dot_general3A_5 = tpu.matmul %get3A_1, %get3A_4, %dot_general3A {dimension_numbers = #tpu.dot_dimension_numbers<[1], [0], [0], [1], [0, 0, 1, 1], [], []>, transpose_lhs_hint = false} : vector<3200x16xf32>, vector<16x256xf32>, vector<3200x256xf32> -> vector<3200x256xf32>
    %get3A_6 = arith.constant 0 : index
    %get3A_7 = arith.constant 0 : index
    %get3A_8 = vector.load %arg4[%get3A_6, %get3A_7] : memref<1x256xf32, #tpu.memory_space<vmem>>, vector<1x256xf32>
    %add3A = vector.broadcast %get3A_8 : vector<1x256xf32> to vector<3200x256xf32>
    %add3A_9 = arith.addf %dot_general3A_5, %add3A : vector<3200x256xf32>
    %logistic3A = arith.negf %add3A_9 : vector<3200x256xf32>
    %logistic3A_10 = math.exp %logistic3A : vector<3200x256xf32>
    %logistic3A_11 = arith.constant 1.000000e+00 : f32
    %logistic3A_12 = vector.broadcast %logistic3A_11 : f32 to vector<3200x256xf32>
    %logistic3A_13 = arith.addf %logistic3A_12, %logistic3A_10 : vector<3200x256xf32>
    %logistic3A_14 = arith.divf %logistic3A_12, %logistic3A_13 : vector<3200x256xf32>
    %mul3A = arith.mulf %add3A_9, %logistic3A_14 : vector<3200x256xf32>
    %get3A_15 = arith.constant 0 : index
    %get3A_16 = arith.constant 0 : index
    %get3A_17 = vector.load %arg5[%get3A_15, %get3A_16] : memref<256x256xf32, #tpu.memory_space<vmem>>, vector<256x256xf32>
    %dot_general3A_18 = arith.constant dense<0.000000e+00> : vector<3200x256xf32>
    %dot_general3A_19 = tpu.matmul %mul3A, %get3A_17, %dot_general3A_18 {dimension_numbers = #tpu.dot_dimension_numbers<[1], [0], [0], [1], [0, 0, 1, 1], [], []>, transpose_lhs_hint = false} : vector<3200x256xf32>, vector<256x256xf32>, vector<3200x256xf32> -> vector<3200x256xf32>
    %get3A_20 = arith.constant 0 : index
    %get3A_21 = arith.constant 0 : index
    %get3A_22 = vector.load %arg6[%get3A_20, %get3A_21] : memref<1x256xf32, #tpu.memory_space<vmem>>, vector<1x256xf32>
    %add3A_23 = vector.broadcast %get3A_22 : vector<1x256xf32> to vector<3200x256xf32>
    %add3A_24 = arith.addf %dot_general3A_19, %add3A_23 : vector<3200x256xf32>
    %logistic3A_25 = arith.negf %add3A_24 : vector<3200x256xf32>
    %logistic3A_26 = math.exp %logistic3A_25 : vector<3200x256xf32>
    %logistic3A_27 = arith.constant 1.000000e+00 : f32
    %logistic3A_28 = vector.broadcast %logistic3A_27 : f32 to vector<3200x256xf32>
    %logistic3A_29 = arith.addf %logistic3A_28, %logistic3A_26 : vector<3200x256xf32>
    %logistic3A_30 = arith.divf %logistic3A_28, %logistic3A_29 : vector<3200x256xf32>
    %slice3A = vector.extract_strided_slice %logistic3A_30 {offsets = [0, 0], sizes = [3200, 128], strides = [1, 1]} : vector<3200x256xf32> to vector<3200x128xf32>
    %get3A_31 = arith.constant 0 : index
    %get3A_32 = arith.constant 0 : index
    %get3A_33 = arith.constant 0 : index
    %get3A_34 = vector.load %arg2[%get3A_31, %get3A_32, %get3A_33] : memref<2x3200x128xf32, #tpu.memory_space<vmem>>, vector<1x3200x128xf32>
    %get3A_35 = vector.shape_cast %get3A_34 : vector<1x3200x128xf32> to vector<3200x128xf32>
    %mul3A_36 = arith.mulf %slice3A, %get3A_35 : vector<3200x128xf32>
    %swap3A = arith.constant 0 : index
    %swap3A_37 = arith.constant 0 : index
    %swap3A_38 = arith.constant 0 : index
    %swap3A_39 = vector.load %arg7[%swap3A, %swap3A_37, %swap3A_38] : memref<2x3200x128xf32, #tpu.memory_space<vmem>>, vector<1x3200x128xf32>
    %swap3A_40 = vector.shape_cast %swap3A_39 : vector<1x3200x128xf32> to vector<3200x128xf32>
    %swap3A_41 = vector.shape_cast %mul3A_36 : vector<3200x128xf32> to vector<1x3200x128xf32>
    tpu.vector_store %arg7[%swap3A, %swap3A_37, %swap3A_38], %swap3A_41 {strides = array<i32>} : memref<2x3200x128xf32, #tpu.memory_space<vmem>>, vector<1x3200x128xf32>,
    %slice3A_42 = vector.extract_strided_slice %logistic3A_30 {offsets = [0, 128], sizes = [3200, 128], strides = [1, 1]} : vector<3200x256xf32> to vector<3200x128xf32>
    %get3A_43 = arith.constant 1 : index
    %get3A_44 = arith.constant 0 : index
    %get3A_45 = arith.constant 0 : index
    %get3A_46 = vector.load %arg2[%get3A_43, %get3A_44, %get3A_45] : memref<2x3200x128xf32, #tpu.memory_space<vmem>>, vector<1x3200x128xf32>
    %get3A_47 = vector.shape_cast %get3A_46 : vector<1x3200x128xf32> to vector<3200x128xf32>
    %mul3A_48 = arith.mulf %slice3A_42, %get3A_47 : vector<3200x128xf32>
    %swap3A_49 = arith.constant 1 : index
    %swap3A_50 = arith.constant 0 : index
    %swap3A_51 = arith.constant 0 : index
    %swap3A_52 = vector.load %arg7[%swap3A_49, %swap3A_50, %swap3A_51] : memref<2x3200x128xf32, #tpu.memory_space<vmem>>, vector<1x3200x128xf32>
    %swap3A_53 = vector.shape_cast %swap3A_52 : vector<1x3200x128xf32> to vector<3200x128xf32>
    %swap3A_54 = vector.shape_cast %mul3A_48 : vector<3200x128xf32> to vector<1x3200x128xf32>
    tpu.vector_store %arg7[%swap3A_49, %swap3A_50, %swap3A_51], %swap3A_54 {strides = array<i32>} : memref<2x3200x128xf32, #tpu.memory_space<vmem>>, vector<1x3200x128xf32>,
    return
  }
  func.func @transform_0(%arg0: i32) -> (i32, i32) {
    %c0_i32 = arith.constant 0 : i32
    %c0_i32_0 = arith.constant 0 : i32
    return %arg0, %c0_i32 : i32, i32
  }
  func.func @transform_1(%arg0: i32) -> (i32, i32, i32) {
    %c0_i32 = arith.constant 0 : i32
    %c0_i32_0 = arith.constant 0 : i32
    %c0_i32_1 = arith.constant 0 : i32
    return %c0_i32, %arg0, %c0_i32_0 : i32, i32, i32
  }
  func.func @transform_2(%arg0: i32) -> (i32, i32) {
    %c0_i32 = arith.constant 0 : i32
    %c0_i32_0 = arith.constant 0 : i32
    %c0_i32_1 = arith.constant 0 : i32
    return %c0_i32, %c0_i32_0 : i32, i32
  }
  func.func @transform_3(%arg0: i32) -> (i32, i32) {
    %c0_i32 = arith.constant 0 : i32
    %c0_i32_0 = arith.constant 0 : i32
    %c0_i32_1 = arith.constant 0 : i32
    return %c0_i32, %c0_i32_0 : i32, i32
  }
  func.func @transform_4(%arg0: i32) -> (i32, i32) {
    %c0_i32 = arith.constant 0 : i32
    %c0_i32_0 = arith.constant 0 : i32
    %c0_i32_1 = arith.constant 0 : i32
    return %c0_i32, %c0_i32_0 : i32, i32
  }
  func.func @transform_5(%arg0: i32) -> (i32, i32) {
    %c0_i32 = arith.constant 0 : i32
    %c0_i32_0 = arith.constant 0 : i32
    %c0_i32_1 = arith.constant 0 : i32
    return %c0_i32, %c0_i32_0 : i32, i32
  }
  func.func @transform_6(%arg0: i32) -> (i32, i32, i32) {
    %c0_i32 = arith.constant 0 : i32
    %c0_i32_0 = arith.constant 0 : i32
    %c0_i32_1 = arith.constant 0 : i32
    return %c0_i32, %arg0, %c0_i32_0 : i32, i32, i32
  }
}

module attributes {stable_mosaic.version = 14 : i64} {
  func.func @_upd_body(%arg0: i32, %arg1: memref<2000x256xf32, #tpu.memory_space<vmem>>, %arg2: memref<2x2000x128xf32, #tpu.memory_space<vmem>>, %arg3: memref<256x256xf32, #tpu.memory_space<vmem>>, %arg4: memref<2x128x256xf32, #tpu.memory_space<vmem>>, %arg5: memref<1x256xf32, #tpu.memory_space<vmem>>, %arg6: memref<256x256xf32, #tpu.memory_space<vmem>>, %arg7: memref<1x256xf32, #tpu.memory_space<vmem>>, %arg8: memref<2000x256xf32, #tpu.memory_space<vmem>>) attributes {dimension_semantics = [#tpu.dimension_semantics<arbitrary>], iteration_bounds = array<i64: 5>, scalar_prefetch = 0 : i64, scratch_operands = 0 : i64, tpu.core_type = #tpu.core_type<tc>, window_params = [{transform_indices = @transform_0, window_bounds = array<i64: 2000, 256>}, {transform_indices = @transform_1, window_bounds = array<i64: 2, 2000, 128>}, {pipeline_mode = #tpu.pipeline_mode<synchronous>, transform_indices = @transform_2, window_bounds = array<i64: 256, 256>}, {pipeline_mode = #tpu.pipeline_mode<synchronous>, transform_indices = @transform_3, window_bounds = array<i64: 2, 128, 256>}, {pipeline_mode = #tpu.pipeline_mode<synchronous>, transform_indices = @transform_4, window_bounds = array<i64: 1, 256>}, {pipeline_mode = #tpu.pipeline_mode<synchronous>, transform_indices = @transform_5, window_bounds = array<i64: 256, 256>}, {pipeline_mode = #tpu.pipeline_mode<synchronous>, transform_indices = @transform_6, window_bounds = array<i64: 1, 256>}, {transform_indices = @transform_7, window_bounds = array<i64: 2000, 256>}]} {
    %get3A = arith.constant 0 : index
    %get3A_0 = arith.constant 0 : index
    %get3A_1 = vector.load %arg1[%get3A, %get3A_0] : memref<2000x256xf32, #tpu.memory_space<vmem>>, vector<2000x256xf32>
    %get3A_2 = arith.constant 0 : index
    %get3A_3 = arith.constant 0 : index
    %get3A_4 = vector.load %arg3[%get3A_2, %get3A_3] : memref<256x256xf32, #tpu.memory_space<vmem>>, vector<256x256xf32>
    %dot_general3A = arith.constant dense<0.000000e+00> : vector<2000x256xf32>
    %dot_general3A_5 = tpu.matmul %get3A_1, %get3A_4, %dot_general3A {dimension_numbers = #tpu.dot_dimension_numbers<[1], [0], [0], [1], [0, 0, 1, 1], [], []>, transpose_lhs_hint = false} : vector<2000x256xf32>, vector<256x256xf32>, vector<2000x256xf32> -> vector<2000x256xf32>
    %get3A_6 = arith.constant 0 : index
    %get3A_7 = arith.constant 0 : index
    %get3A_8 = arith.constant 0 : index
    %get3A_9 = vector.load %arg2[%get3A_6, %get3A_7, %get3A_8] : memref<2x2000x128xf32, #tpu.memory_space<vmem>>, vector<1x2000x128xf32>
    %get3A_10 = vector.shape_cast %get3A_9 : vector<1x2000x128xf32> to vector<2000x128xf32>
    %get3A_11 = arith.constant 0 : index
    %get3A_12 = arith.constant 0 : index
    %get3A_13 = arith.constant 0 : index
    %get3A_14 = vector.load %arg4[%get3A_11, %get3A_12, %get3A_13] : memref<2x128x256xf32, #tpu.memory_space<vmem>>, vector<1x128x256xf32>
    %get3A_15 = vector.shape_cast %get3A_14 : vector<1x128x256xf32> to vector<128x256xf32>
    %dot_general3A_16 = arith.constant dense<0.000000e+00> : vector<2000x256xf32>
    %dot_general3A_17 = tpu.matmul %get3A_10, %get3A_15, %dot_general3A_16 {dimension_numbers = #tpu.dot_dimension_numbers<[1], [0], [0], [1], [0, 0, 1, 1], [], []>, transpose_lhs_hint = false} : vector<2000x128xf32>, vector<128x256xf32>, vector<2000x256xf32> -> vector<2000x256xf32>
    %add3A = arith.addf %dot_general3A_5, %dot_general3A_17 : vector<2000x256xf32>
    %get3A_18 = arith.constant 1 : index
    %get3A_19 = arith.constant 0 : index
    %get3A_20 = arith.constant 0 : index
    %get3A_21 = vector.load %arg2[%get3A_18, %get3A_19, %get3A_20] : memref<2x2000x128xf32, #tpu.memory_space<vmem>>, vector<1x2000x128xf32>
    %get3A_22 = vector.shape_cast %get3A_21 : vector<1x2000x128xf32> to vector<2000x128xf32>
    %get3A_23 = arith.constant 1 : index
    %get3A_24 = arith.constant 0 : index
    %get3A_25 = arith.constant 0 : index
    %get3A_26 = vector.load %arg4[%get3A_23, %get3A_24, %get3A_25] : memref<2x128x256xf32, #tpu.memory_space<vmem>>, vector<1x128x256xf32>
    %get3A_27 = vector.shape_cast %get3A_26 : vector<1x128x256xf32> to vector<128x256xf32>
    %dot_general3A_28 = arith.constant dense<0.000000e+00> : vector<2000x256xf32>
    %dot_general3A_29 = tpu.matmul %get3A_22, %get3A_27, %dot_general3A_28 {dimension_numbers = #tpu.dot_dimension_numbers<[1], [0], [0], [1], [0, 0, 1, 1], [], []>, transpose_lhs_hint = false} : vector<2000x128xf32>, vector<128x256xf32>, vector<2000x256xf32> -> vector<2000x256xf32>
    %add3A_30 = arith.addf %add3A, %dot_general3A_29 : vector<2000x256xf32>
    %get3A_31 = arith.constant 0 : index
    %get3A_32 = arith.constant 0 : index
    %get3A_33 = vector.load %arg5[%get3A_31, %get3A_32] : memref<1x256xf32, #tpu.memory_space<vmem>>, vector<1x256xf32>
    %add3A_34 = vector.broadcast %get3A_33 : vector<1x256xf32> to vector<2000x256xf32>
    %add3A_35 = arith.addf %add3A_30, %add3A_34 : vector<2000x256xf32>
    %logistic3A = arith.negf %add3A_35 : vector<2000x256xf32>
    %logistic3A_36 = math.exp %logistic3A : vector<2000x256xf32>
    %logistic3A_37 = arith.constant 1.000000e+00 : f32
    %logistic3A_38 = vector.broadcast %logistic3A_37 : f32 to vector<2000x256xf32>
    %logistic3A_39 = arith.addf %logistic3A_38, %logistic3A_36 : vector<2000x256xf32>
    %logistic3A_40 = arith.divf %logistic3A_38, %logistic3A_39 : vector<2000x256xf32>
    %mul3A = arith.mulf %add3A_35, %logistic3A_40 : vector<2000x256xf32>
    %get3A_41 = arith.constant 0 : index
    %get3A_42 = arith.constant 0 : index
    %get3A_43 = vector.load %arg6[%get3A_41, %get3A_42] : memref<256x256xf32, #tpu.memory_space<vmem>>, vector<256x256xf32>
    %dot_general3A_44 = arith.constant dense<0.000000e+00> : vector<2000x256xf32>
    %dot_general3A_45 = tpu.matmul %mul3A, %get3A_43, %dot_general3A_44 {dimension_numbers = #tpu.dot_dimension_numbers<[1], [0], [0], [1], [0, 0, 1, 1], [], []>, transpose_lhs_hint = false} : vector<2000x256xf32>, vector<256x256xf32>, vector<2000x256xf32> -> vector<2000x256xf32>
    %add3A_46 = arith.addf %get3A_1, %dot_general3A_45 : vector<2000x256xf32>
    %get3A_47 = arith.constant 0 : index
    %get3A_48 = arith.constant 0 : index
    %get3A_49 = vector.load %arg7[%get3A_47, %get3A_48] : memref<1x256xf32, #tpu.memory_space<vmem>>, vector<1x256xf32>
    %add3A_50 = vector.broadcast %get3A_49 : vector<1x256xf32> to vector<2000x256xf32>
    %add3A_51 = arith.addf %add3A_46, %add3A_50 : vector<2000x256xf32>
    %swap3A = arith.constant 0 : index
    %swap3A_52 = arith.constant 0 : index
    %swap3A_53 = vector.load %arg8[%swap3A, %swap3A_52] : memref<2000x256xf32, #tpu.memory_space<vmem>>, vector<2000x256xf32>
    tpu.vector_store %arg8[%swap3A, %swap3A_52], %add3A_51 {strides = array<i32>} : memref<2000x256xf32, #tpu.memory_space<vmem>>, vector<2000x256xf32>,
    return
  }
  func.func @transform_0(%arg0: i32) -> (i32, i32) {
    %c0_i32 = arith.constant 0 : i32
    %c0_i32_0 = arith.constant 0 : i32
    return %arg0, %c0_i32 : i32, i32
  }
  func.func @transform_1(%arg0: i32) -> (i32, i32, i32) {
    %c0_i32 = arith.constant 0 : i32
    %c0_i32_0 = arith.constant 0 : i32
    %c0_i32_1 = arith.constant 0 : i32
    return %c0_i32, %arg0, %c0_i32_0 : i32, i32, i32
  }
  func.func @transform_2(%arg0: i32) -> (i32, i32) {
    %c0_i32 = arith.constant 0 : i32
    %c0_i32_0 = arith.constant 0 : i32
    %c0_i32_1 = arith.constant 0 : i32
    return %c0_i32, %c0_i32_0 : i32, i32
  }
  func.func @transform_3(%arg0: i32) -> (i32, i32, i32) {
    %c0_i32 = arith.constant 0 : i32
    %c0_i32_0 = arith.constant 0 : i32
    %c0_i32_1 = arith.constant 0 : i32
    %c0_i32_2 = arith.constant 0 : i32
    return %c0_i32, %c0_i32_0, %c0_i32_1 : i32, i32, i32
  }
  func.func @transform_4(%arg0: i32) -> (i32, i32) {
    %c0_i32 = arith.constant 0 : i32
    %c0_i32_0 = arith.constant 0 : i32
    %c0_i32_1 = arith.constant 0 : i32
    return %c0_i32, %c0_i32_0 : i32, i32
  }
  func.func @transform_5(%arg0: i32) -> (i32, i32) {
    %c0_i32 = arith.constant 0 : i32
    %c0_i32_0 = arith.constant 0 : i32
    %c0_i32_1 = arith.constant 0 : i32
    return %c0_i32, %c0_i32_0 : i32, i32
  }
  func.func @transform_6(%arg0: i32) -> (i32, i32) {
    %c0_i32 = arith.constant 0 : i32
    %c0_i32_0 = arith.constant 0 : i32
    %c0_i32_1 = arith.constant 0 : i32
    return %c0_i32, %c0_i32_0 : i32, i32
  }
  func.func @transform_7(%arg0: i32) -> (i32, i32) {
    %c0_i32 = arith.constant 0 : i32
    %c0_i32_0 = arith.constant 0 : i32
    return %arg0, %c0_i32 : i32, i32
  }
}

</mosaic_0001>

<sc_bundles>
// kernel: kernel.6.cloned.1.call-start
scs
__scs_entry_jumppad:
0x0: {  	(pc) =	sbr.rel $0x88, $3  }
0x1: {  	(tag) =	ssettag $0x0;
	lr =	simm.s32 $0x1  }
0x2: {  	[smem:$0x3F96] =	sst lr;
	_ =	strace $0xD0000000  }
0x3: {  	_ = 	snop  }
0x4: {  	_ = 	snop  }
0x5: {  	_ = 	snop  }
0x6: {  	_ = 	snop  }
0x7: {  	_ = 	snop  }
__scs_overlays_trampoline_lowered:
0x8: {  	[smem:$0x3FA5] =	sst s0  }
0x9: {  	[smem:$0x3FA6] =	sst s1  }
0xa: {  	[smem:$0x3FA7] =	sst s2  }
0xb: {  	[smem:$0x3FA8] =	sst s3  }
0xc: {  	[smem:$0x3FA9] =	sst s4  }
0xd: {  	[smem:$0x3FAA] =	sst s5  }
0xe: {  	[smem:$0x3FAB] =	sst s6  }
0xf: {  	[smem:$0x3FAC] =	sst s7  }
0x10: {  	[smem:$0x3FAD] =	sst s8  }
0x11: {  	[smem:$0x3FAE] =	sst s9;
	s0 =	simm.s32 @!p0 $0x0  }
0x12: {  	s1 =	sld [smem:$0x3F94];
	s0 =	simm.s32 @p0 $0x1  }
0x13: {  	[smem:$0x3FAF] =	sst s0;
	s0 =	simm.s32 @!p1 $0x0  }
0x14: {  	s2 =	sld [smem:$0x3F93];
	s0 =	simm.s32 @p1 $0x1  }
0x15: {  	[smem:$0x3FB0] =	sst s0;
	s0 =	simm.s32 @!p2 $0x0  }
0x16: {  	s3 =	sld [smem:$0x3FDB];
	s0 =	simm.s32 @p2 $0x1  }
0x17: {  	s4 =	simm.s32 $0x1BF5;
	[smem:$0x3FB2] =	sst s0  }
0x18: {  	s0 =	sld [smem:$0x3F95];
	_ =	swait.ge [sflag:s4], $0x0  }
0x19: {  	s7 =	sld [smem:$0x3F96]  }
0x1a: {  	s8 =	sadd.s32 $0xFFFFE003, lr  }
0x1b: {  	s9 =	sadd.s32 $0xFFFFFEF7, lr;
	s5 =	simm.s32 $0xFFFFFFFF;
	p2 =	slt.u32 s8, $0xFFFFF086  }
0x1c: {  	p1 =	slt.u32 s9, $0xF7A;
	s5 =	simm.s32 @!p2 $0x0  }
0x1d: {  	s5 =	simm.s32 @p1 $0x1;
	p0 =	seq.s32 s7, s2  }
0x1e: {  	s7 =	smul.u32 @!p0 $0xF7A, s2;
	p2 =	seq.s32 @!p0 s5, $0x0  }
0x1f: {  	s9 =	smul.u32 $0xF7A, s1;
	s8 =	simm.s32 @!p0 $0x1BF5;
	p2 =	por !p2, p0  }
0x20: {  	[sflag:s8] =	ssyncset.s32 @!p0 $0xFFFFF086;
	s6 =	sadd.s32 @!p0 s3, s7;
	s7 =	simm.s32 @!p0 $0x108  }
0x21: {  	s3 =	sadd.s32 s3, s9;
	s6 =	sadd.s32 @!p0 $0x88, s6;
	s7 =	simm.s32 @p2 $0x1082  }
0x22: {  	[simem:s7], [sflag:s8] =	dma.local @!p0 [hbm:s6], $0xF7A  }
0x23: {  	s9 =	sor.u32 $0xD0000000, s2;
	s6 =	simm.s32 $0x108;
	_ =	swait.ge @!p0 [sflag:s8], $0x0  }
0x24: {  	s3 =	sadd.s32 $0x88, s3;
	s6 =	simm.s32 @!p1 $0x1082;
	[sflag:s4] =	ssyncset.s32 $0xFFFFF086  }
0x25: {  	[simem:s6], [sflag:s4] =	dma.local [hbm:s3], $0xF7A  }
0x26: {  	[smem:$0x3F96] =	sst s1;
	(tag) =	ssettag s2;
	_ =	strace s9  }
0x27: {  	s1 =	sld [smem:$0x3FA6]  }
0x28: {  	s2 =	sld [smem:$0x3FA7]  }
0x29: {  	s4 =	sld [smem:$0x3FA9]  }
0x2a: {  	p0 =	seq.s32 s5, $0x0;
	s5 =	sld [smem:$0x3FAA]  }
0x2b: {  	s6 =	sld [smem:$0x3FAB]  }
0x2c: {  	s7 =	sld [smem:$0x3FAC]  }
0x2d: {  	s3 =	simm.s32 $0x108;
	s8 =	sld [smem:$0x3FAD]  }
0x2e: {  	s3 =	simm.s32 @!p0 $0x1082;
	s9 =	sld [smem:$0x3FAE]  }
0x2f: {  	lr =	sadd.s32 s0, s3;
	s0 =	sld [smem:$0x3FA5]  }
0x30: {  	s3 =	sld [smem:$0x3FA8]  }
0x31: {  	[smem:$0x3FB1] =	sst s10  }
0x32: {  	s10 =	sld [smem:$0x3FAF];
	_ =	sdelay $0x3  }
0x33: {  	p0 =	seq.s32 s10, $0x1;
	s10 =	sld [smem:$0x3FB1];
	_ =	sdelay $0x3  }
0x34: {  	[smem:$0x3FB1] =	sst s10  }
0x35: {  	s10 =	sld [smem:$0x3FB0];
	_ =	sdelay $0x3  }
0x36: {  	p1 =	seq.s32 s10, $0x1;
	s10 =	sld [smem:$0x3FB1];
	_ =	sdelay $0x3  }
0x37: {  	[smem:$0x3FB1] =	sst s10  }
0x38: {  	s10 =	sld [smem:$0x3FB2]  }
0x39: {  	_ = 	snop;
	(pc) =	sbr.ind lr, $3  }
0x3a: {  	_ = 	snop  }
0x3b: {  	_ = 	snop  }
0x3c: {  	p2 =	seq.s32 s10, $0x1;
	s10 =	sld [smem:$0x3FB1]  }
0x3d: {  	_ =	shalt  }
0x3e: {  	_ =	shalt  }
0x3f: {  	_ =	shalt  }
0x40: {  	_ =	shalt  }
0x41: {  	_ =	shalt  }
0x42: {  	_ =	shalt  }
0x43: {  	_ =	shalt  }
0x44: {  	_ =	shalt  }
0x45: {  	_ =	shalt  }
0x46: {  	_ =	shalt  }
0x47: {  	_ =	shalt  }
0x48: {  	_ =	shalt  }
0x49: {  	_ =	shalt  }
0x4a: {  	_ =	shalt  }
0x4b: {  	_ =	shalt  }
0x4c: {  	_ =	shalt  }
0x4d: {  	_ =	shalt  }
0x4e: {  	_ =	shalt  }
0x4f: {  	_ =	shalt  }
0x50: {  	_ =	shalt  }
0x51: {  	_ =	shalt  }
0x52: {  	_ =	shalt  }
0x53: {  	_ =	shalt  }
0x54: {  	_ =	shalt  }
0x55: {  	_ =	shalt  }
0x56: {  	_ =	shalt  }
0x57: {  	_ =	shalt  }
0x58: {  	_ =	shalt  }
0x59: {  	_ =	shalt  }
0x5a: {  	_ =	shalt  }
0x5b: {  	_ =	shalt  }
0x5c: {  	_ =	shalt  }
0x5d: {  	_ =	shalt  }
0x5e: {  	_ =	shalt  }
0x5f: {  	_ =	shalt  }
0x60: {  	_ =	shalt  }
0x61: {  	_ =	shalt  }
0x62: {  	_ =	shalt  }
0x63: {  	_ =	shalt  }
0x64: {  	_ =	shalt  }
0x65: {  	_ =	shalt  }
0x66: {  	_ =	shalt  }
0x67: {  	_ =	shalt  }
0x68: {  	_ =	shalt  }
0x69: {  	_ =	shalt  }
0x6a: {  	_ =	shalt  }
0x6b: {  	_ =	shalt  }
0x6c: {  	_ =	shalt  }
0x6d: {  	_ =	shalt  }
0x6e: {  	_ =	shalt  }
0x6f: {  	_ =	shalt  }
0x70: {  	_ =	shalt  }
0x71: {  	_ =	shalt  }
0x72: {  	_ =	shalt  }
0x73: {  	_ =	shalt  }
0x74: {  	_ =	shalt  }
0x75: {  	_ =	shalt  }
0x76: {  	_ =	shalt  }
0x77: {  	_ =	shalt  }
0x78: {  	_ =	shalt  }
0x79: {  	_ =	shalt  }
0x7a: {  	_ =	shalt  }
0x7b: {  	_ =	shalt  }
0x7c: {  	_ =	shalt  }
0x7d: {  	_ =	shalt  }
0x7e: {  	_ =	shalt  }
0x7f: {  	_ =	shalt  }
0x80: {  	_ =	shalt  }
0x81: {  	_ =	shalt  }
0x82: {  	_ =	shalt  }
0x83: {  	_ =	shalt  }
0x84: {  	_ =	shalt  }
0x85: {  	_ =	shalt  }
0x86: {  	_ =	shalt  }
0x87: {  	_ =	shalt  }
.Lfunc_end0:
.L_simem_size_0:
called_computation_lowered:
.L_overlay_start_0:
0x88: {  	s2 =	sld [smem:$0x3FD9]  }
0x89: {  	s3 =	sld [smem:$0x3FFE];
	_ =	sdelay $0x1  }
0x8a: {  	s1 =	srdreg.scid  }
0x8b: {  	s0 =	sand.u32 $0x1, s1  }
0x8c: {  	s17 =	sshll.u32 s0, $0xA;
	s2 =	sadd.s32 s3, s2  }
0x8d: {  	s2 =	sadd.s32 s2, s17  }
0x8e: {  	[smem:$0x3FBD] =	sst s2  }
0x8f: {  	_ = 	snop  }
0x90: {  	s2 =	sld [smem:$0x3FD0];
	(tm) =	ssettm $0x1  }
0x91: {  	s18 =	sld [smem:$0x3FFB];
	_ =	sdelay $0x3  }
0x92: {  	_ =	strace s18  }
0x93: {  	s3 =	sld [smem:$0x3FFC];
	_ =	sdelay $0x3  }
0x94: {  	_ =	strace s3  }
0x95: {  	s3 =	sld [smem:$0x3FFD];
	_ =	sdelay $0x3  }
0x96: {  	_ =	strace s3  }
0x97: {  	_ =	strace $0x8FFFFFFF  }
0x98: {  	s19 =	sld [smem:$0x3FDB];
	_ =	sdelay $0x1  }
0x99: {  	s4 =	simm.s32 $_scs_section_size  }
0x9a: {  	s5 =	simm.s32 $_size__tile_overlayer_lowered;
	s6 =	simm.s32 $_tile_overlayer_lowered  }
0x9b: {  	s22 =	simm.s32 $0x1BFF;
	s21 =	sshll.u32 s6, $0x1;
	s3 =	sadd.s32 s4, s19  }
0x9c: {  	s7 =	simm.s32 $0x0;
	s20 =	sshll.u32 s5, $0x1;
	s5 =	sadd.s32 s21, s3  }
0x9d: {  	[timem:s7], [sflag:s22] =	dma.local [hbm:s5], s20  }
0x9e: {  	_ =	swait.ge [sflag:s22], s20  }
0x9f: {  	s4 =	ssub.s32 $0x0, s20;
	[sflag:s22] =	ssyncset.done $0x0  }
0xa0: {  	[sflag:s22] =	ssyncadd.s32 s4;
	_ =	sdelay $0x1  }
0xa1: {  	s23 =	simm.s32 $0x1B8B  }
0xa2: {  	_ =	swait.ge [sflag:s23], $0x1  }
0xa3: {  	[sflag:s23] =	ssyncset.done $0x0  }
0xa4: {  	s25 =	simm.s32 $0x1B8E;
	s24 =	sld [smem:$0x3FFE];
	[sflag:s23] =	ssyncadd.s32 $0xFFFFFFFF  }
0xa5: {  	s26 =	simm.s32 $execute0_lowered;
	[smem:$0x3FD2] =	sst s25  }
0xa6: {  	s5 =	sshll.u32 s26, $0x1;
	_ =	strace $0x80000046;
	[dreg:$0x1] =	wrdreg $0xFFFFFFFF  }
0xa7: {  	s28 =	simm.s32 $_size_execute0_lowered;
	s3 =	sadd.s32 s3, s5;
	[dreg:$0x0] =	wrdreg $0x0  }
0xa8: {  	s5 =	sshll.u32 s28, $0x1;
	[dreg:$0x2] =	wrdreg s3  }
0xa9: {  	[dreg:$0x3] =	wrdreg s5  }
0xaa: {  	[dreg:$0x4] =	wrdreg $0xC0  }
0xab: {  	_ =	task [dreg:s7], $0x5FFFF  }
0xac: {  	[dreg:$0x1] =	wrdreg $0xFFFFFFFF  }
0xad: {  	[dreg:$0x0] =	wrdreg $0x60  }
0xae: {  	[dreg:$0x2] =	wrdreg s2  }
0xaf: {  	[dreg:$0x3] =	wrdreg s24  }
0xb0: {  	[dreg:$0x4] =	wrdreg $0x9  }
0xb1: {  	_ =	task.clear_ibuf [dreg:s7], $0x5FFFF;
	_ =	strace $0x90000046  }
0xb2: {  	s29 =	simm.s32 $0x9;
	_ =	strace $0x80000048  }
0xb3: {  	_ =	swait.ge [sflag:s29], $0x1  }
0xb4: {  	[sflag:s29] =	ssyncadd.s32 $0xFFFFFFFF  }
0xb5: {  	_ =	strace $0x90000048  }
0xb6: {  	_ =	sfence  }
0xb7: {  	s30 =	sld [smem:$0x0];
	_ =	sdelay $0x2  }
0xb8: {  	s31 =	sshll.u32 s1, $0xD;
	s1 =	sshrl.u32 s1, $0x2  }
0xb9: {  	s3 =	sand.u32 $0x4000, s31;
	s1 =	sadd.s32 s1, s30  }
0xba: {  	s0 =	sor.u32 s3, s0;
	s1 =	sshll.u32 s1, $0x11  }
0xbb: {  	s0 =	sor.u32 s1, s0  }
0xbc: {  	s0 =	sadd.s32 $0x8F2B, s0  }
0xbd: {  	[sflag:s0] =	ssyncadd.remote.s32 $0x1  }
0xbe: {  	_ =	sfence.sel $0xFFFF  }
0xbf: {  	[dreg:$0x0] =	wrdreg $0xFFFFFFFF;
	(pc) =	sbr.abs _section_cstart, $3  }
0xc0: {  	[dreg:$0x1] =	wrdreg $0xFFFFFFFF  }
0xc1: {  	_ =	task.clear_ibuf [dreg:s7], $0x2FFFF;
	_ =	strace $0x9FFFFFFF  }
0xc2: {  	(tm) =	ssettm $0x7FFFFFFF  }
0xc3: {  	_ =	shalt  }
tec
execute0_lowered:
.L_overlay_start_1:
0x0: {  	(tag) =	ssettag $0x1  }
0x1: {  	s1 =	rddreg [dreg:$0x0]  }
0x2: {  	s4 =	rddreg [dreg:$0x1]  }
0x3: {  	s2 =	srdreg.scid;
	s0 =	rddreg [dreg:$0x2];
	s3 =	simm.s32 $0x0  }
0x4: {  	s11 =	simm.s32 $0x4000;
	s12 =	simm.s32 $0x6800;
	s13 =	simm.s32 $0x1  }
0x5: {  	s14 =	simm.s32 $0x2;
	s5 =	sand.u32 $0x1, s2;
	s2 =	stileid.u32  }
0x6: {  	s15 =	simm.s32 $0x0;
	[smem:$0x7FF] =	sst s3;
	s6 =	smul.u32 $0x1388000, s5  }
0x7: {  	s10 =	sadd.s32 $0x16C00, s4;
	s7 =	sshll.u32 s2, $0xB;
	s8 =	smul.u32 $0x138800, s2  }
0x8: {  	_ =	strace $0x80000047;
	s9 =	ssub.s32 $0x2, s5;
	s29 =	sshll.u32 s5, $0xF  }
0x9: {  	s7 =	sadd.s32 s7, s4;
	s26 =	sshrl.u32 s9, $0x1;
	s6 =	sadd.s32 s8, s6  }
0xa: {  	s28 =	ssub.s32 s9, s26;
	s7 =	sadd.s32 s29, s7;
	s30 =	sshrl.u32 s6, $0x3  }
0xb: {  	s31 =	sadd.s32 $0x2800, s6;
	s5 =	sadd.s32 $0x6C00, s7;
	s4 =	sadd.s32 s30, s10  }
0xc: {  	s7 =	smax.u32 s28, $0x1;
	s9 =	sshrl.u32 s31, $0x3;
	s6 =	sadd.s32 $0x26C00, s4  }
0xd: {  	s8 =	sadd.s32 s9, s10;
	s9 =	simm.s32 $0x3;
	s10 =	simm.s32 $0x50  }
.LBB2_1:
0xe: {  	[tilespmem:s3], [sflag:$0x3] =	stream.linear.gather [hbm4b:s5+s3], $0x3E80, $0x38;
	[tilespmem:$0x9000] =	vst v63  }
0xf: {  	_ =	swait.ge [sflag:s9], $0x3E80  }
0x10: {  	[sflag:s9] =	ssyncset.done $0x0  }
0x11: {  	[sflag:s9] =	ssyncadd.s32 $0xFFFFC180  }
0x12: {  	[tilespmem:s11], [sflag:$0x1] =	stream.indirect.gather [hbm4b:s1+s10], $0x80, s3, s10, $0xb8;
	[tilespmem:$0x9000] =	vst v63  }
0x13: {  	s16 =	simm.s32 $0x80  }
0x14: {  	[tilespmem:s12], [sflag:$0x2] =	stream.indirect.gather [hbm4b:s1+s10], $0x80, s16, s10, $0xb8;
	[tilespmem:$0x9000] =	vst v63  }
0x15: {  	_ =	swait.ge [sflag:s13], $0x2800  }
0x16: {  	[sflag:s13] =	ssyncset.done $0x0  }
0x17: {  	s29 =	sadd.s32 $0x0, s4;
	[sflag:s13] =	ssyncadd.s32 $0xFFFFD800  }
0x18: {  	[hbm4b:s29+s3] =	stream.linear.scatter [tilespmem:s11], [sflag:$0x3], $0x2800, $0x38;
	[tilespmem:$0x9000] =	vst v63  }
0x19: {  	_ =	swait.ge [sflag:s9], $0x2800  }
0x1a: {  	[sflag:s9] =	ssyncset.done $0x0  }
0x1b: {  	s30 =	simm.s32 $0x100;
	[sflag:s9] =	ssyncadd.s32 $0xFFFFD800  }
0x1c: {  	[tilespmem:s11], [sflag:$0x1] =	stream.indirect.gather [hbm4b:s1+s10], $0x80, s30, s10, $0xb8;
	[tilespmem:$0x9000] =	vst v63  }
0x1d: {  	_ =	swait.ge [sflag:s14], $0x2800  }
0x1e: {  	[sflag:s14] =	ssyncset.done $0x0  }
0x1f: {  	s31 =	sadd.s32 $0x0, s8;
	[sflag:s14] =	ssyncadd.s32 $0xFFFFD800  }
0x20: {  	[hbm4b:s31+s3] =	stream.linear.scatter [tilespmem:s12], [sflag:$0x3], $0x2800, $0x38;
	[tilespmem:$0x9000] =	vst v63  }
0x21: {  	s18 =	simm.s32 $0x1400;
	_ =	swait.ge [sflag:s9], $0x2800  }
0x22: {  	s17 =	simm.s32 $0x200;
	s16 =	simm.s32 $0xA00;
	[sflag:s9] =	ssyncset.done $0x0  }
.LBB2_2:
0x23: {  	p0 =	sne.s32 s18, $0x26200;
	s19 =	sadd.s32 $0xFFFFFF80, s17;
	[sflag:s9] =	ssyncadd.s32 $0xFFFFD800  }
0x24: {  	[tilespmem:s12], [sflag:$0x2] =	stream.indirect.gather [hbm4b:s1+s10], $0x80, s19, s10, $0xb8;
	[tilespmem:$0x9000] =	vst v63  }
0x25: {  	s19 =	smov.u32 s18;
	s18 =	sadd.s32 $0xA00, s18;
	_ =	swait.ge [sflag:s13], $0x2800  }
0x26: {  	[sflag:s13] =	ssyncset.done $0x0  }
0x27: {  	s20 =	sadd.s32 s16, s4;
	[sflag:s13] =	ssyncadd.s32 $0xFFFFD800  }
0x28: {  	[hbm4b:s20+s3] =	stream.linear.scatter [tilespmem:s11], [sflag:$0x3], $0x2800, $0x38;
	[tilespmem:$0x9000] =	vst v63  }
0x29: {  	_ =	swait.ge [sflag:s9], $0x2800  }
0x2a: {  	[sflag:s9] =	ssyncset.done $0x0  }
0x2b: {  	[sflag:s9] =	ssyncadd.s32 $0xFFFFD800  }
0x2c: {  	[tilespmem:s11], [sflag:$0x1] =	stream.indirect.gather [hbm4b:s1+s10], $0x80, s17, s10, $0xb8;
	[tilespmem:$0x9000] =	vst v63  }
0x2d: {  	_ =	swait.ge [sflag:s14], $0x2800  }
.Ltmp0:
0x2e: {  	[sflag:s14] =	ssyncset.done $0x0;
	(pc) =	sbr.rel @p0 .LBB2_2-.Ltmp0, $4  }
0x2f: {  	s20 =	sadd.s32 s16, s8;
	s16 =	smov.u32 s19;
	[sflag:s14] =	ssyncadd.s32 $0xFFFFD800  }
0x30: {  	[hbm4b:s20+s3] =	stream.linear.scatter [tilespmem:s12], [sflag:$0x3], $0x2800, $0x38;
	[tilespmem:$0x9000] =	vst v63  }
0x31: {  	_ =	swait.ge [sflag:s9], $0x2800  }
0x32: {  	s17 =	sadd.s32 $0x100, s17;
	[sflag:s9] =	ssyncset.done $0x0  }
0x33: {  	s18 =	sadd.s32 $0xFFFFFF80, s17;
	[sflag:s9] =	ssyncadd.s32 $0xFFFFD800  }
0x34: {  	[tilespmem:s12], [sflag:$0x2] =	stream.indirect.gather [hbm4b:s1+s10], $0x80, s18, s10, $0xb8;
	[tilespmem:$0x9000] =	vst v63  }
0x35: {  	_ =	swait.ge [sflag:s13], $0x2800  }
0x36: {  	[sflag:s13] =	ssyncset.done $0x0  }
0x37: {  	s30 =	sadd.s32 s16, s4;
	[sflag:s13] =	ssyncadd.s32 $0xFFFFD800  }
0x38: {  	[hbm4b:s30+s3] =	stream.linear.scatter [tilespmem:s11], [sflag:$0x3], $0x2800, $0x38;
	[tilespmem:$0x9000] =	vst v63  }
0x39: {  	_ =	swait.ge [sflag:s9], $0x2800  }
0x3a: {  	[sflag:s9] =	ssyncset.done $0x0  }
0x3b: {  	[sflag:s9] =	ssyncadd.s32 $0xFFFFD800  }
0x3c: {  	[tilespmem:s11], [sflag:$0x1] =	stream.indirect.gather [hbm4b:s1+s10], $0x80, s17, s10, $0xb8;
	[tilespmem:$0x9000] =	vst v63  }
0x3d: {  	_ =	swait.ge [sflag:s14], $0x2800  }
0x3e: {  	[sflag:s14] =	ssyncset.done $0x0  }
0x3f: {  	s31 =	sadd.s32 s16, s8;
	[sflag:s14] =	ssyncadd.s32 $0xFFFFD800  }
0x40: {  	[hbm4b:s31+s3] =	stream.linear.scatter [tilespmem:s12], [sflag:$0x3], $0x2800, $0x38;
	[tilespmem:$0x9000] =	vst v63  }
0x41: {  	_ =	swait.ge [sflag:s9], $0x2800  }
0x42: {  	[sflag:s9] =	ssyncset.done $0x0  }
0x43: {  	[sflag:s9] =	ssyncadd.s32 $0xFFFFD800  }
0x44: {  	s15 =	sadd.s32 $0x1, s15;
	_ =	swait.ge [sflag:s13], $0x2800  }
0x45: {  	p0 =	sne.s32 s15, s7;
	[sflag:s13] =	ssyncset.done $0x0  }
.Ltmp1:
0x46: {  	[sflag:s13] =	ssyncadd.s32 $0xFFFFD800;
	(pc) =	sbr.rel @p0 .LBB2_1-.Ltmp1, $4  }
0x47: {  	[hbm4b:s6+s3] =	stream.linear.scatter [tilespmem:s11], [sflag:$0x3], $0x2800, $0x38;
	[tilespmem:$0x9000] =	vst v63  }
0x48: {  	_ =	swait.ge [sflag:s9], $0x2800  }
0x49: {  	[sflag:s9] =	ssyncset.done $0x0  }
0x4a: {  	[sflag:s9] =	ssyncadd.s32 $0xFFFFD800  }
0x4b: {  	_ =	sfence.sel $0x180000  }
0x4c: {  	[bflag:$0x0] =	sbarrier.arrive $0xFFFF  }
0x4d: {  	p0 =	sne.s32 s2, $0x0;
	_ =	strace $0x90000047  }
0x4e: {  	s0 =	sadd.s32 @!p0 $0x100000, s0;
	[bflag:$0x2] =	sbarrier.arrive $0xFFFF  }
0x4f: {  	[sflag:s0] =	ssyncadd.tile.s32 @!p0 $0x1;
	_ =	shalt  }
.Lfunc_end2:
_tile_overlayer_lowered:
.L_overlay_start_2:
0x50: {  	(tag) =	ssettag $0x2  }
0x51: {  	s0 =	rddreg [dreg:$0x0];
	s2 =	stileid.u32  }
0x52: {  	s1 =	rddreg [dreg:$0x1];
	p0 =	sne.s32 s2, $0x0  }
0x53: {  	s3 =	rddreg [dreg:$0x2];
	[bflag:$0x3] =	sbarrier.arrive $0xFFFF;
	s2 =	simm.s32 @!p0 $0x1C03  }
0x54: {  	[timem:s3], [sflag:s2] =	dma.local @!p0 [hbm:s0], s1  }
0x55: {  	s0 =	simm.s32 @!p0 $0x3  }
0x56: {  	_ =	swait.ge @!p0 [sflag:s0], s1  }
0x57: {  	s1 =	ssub.s32 @!p0 $0x0, s1;
	[sflag:s0] =	ssyncset.done @!p0 $0x0  }
0x58: {  	[sflag:s0] =	ssyncadd.s32 @!p0 s1  }
0x59: {  	[bflag:$0x3] =	sbarrier.arrive $0xFFFF  }
0x5a: {  	_ =	shalt  }

// kernel: kernel.9.cloned.1.call-start
scs
__scs_entry_jumppad:
0x0: {  	(pc) =	sbr.rel $0x88, $3  }
0x1: {  	(tag) =	ssettag $0x0;
	lr =	simm.s32 $0x1  }
0x2: {  	[smem:$0x3F96] =	sst lr;
	_ =	strace $0xD0000000  }
0x3: {  	_ = 	snop  }
0x4: {  	_ = 	snop  }
0x5: {  	_ = 	snop  }
0x6: {  	_ = 	snop  }
0x7: {  	_ = 	snop  }
__scs_overlays_trampoline_lowered:
0x8: {  	[smem:$0x3FA5] =	sst s0  }
0x9: {  	[smem:$0x3FA6] =	sst s1  }
0xa: {  	[smem:$0x3FA7] =	sst s2  }
0xb: {  	[smem:$0x3FA8] =	sst s3  }
0xc: {  	[smem:$0x3FA9] =	sst s4  }
0xd: {  	[smem:$0x3FAA] =	sst s5  }
0xe: {  	[smem:$0x3FAB] =	sst s6  }
0xf: {  	[smem:$0x3FAC] =	sst s7  }
0x10: {  	[smem:$0x3FAD] =	sst s8  }
0x11: {  	[smem:$0x3FAE] =	sst s9;
	s0 =	simm.s32 @!p0 $0x0  }
0x12: {  	s1 =	sld [smem:$0x3F94];
	s0 =	simm.s32 @p0 $0x1  }
0x13: {  	[smem:$0x3FAF] =	sst s0;
	s0 =	simm.s32 @!p1 $0x0  }
0x14: {  	s2 =	sld [smem:$0x3F93];
	s0 =	simm.s32 @p1 $0x1  }
0x15: {  	[smem:$0x3FB0] =	sst s0;
	s0 =	simm.s32 @!p2 $0x0  }
0x16: {  	s3 =	sld [smem:$0x3FDB];
	s0 =	simm.s32 @p2 $0x1  }
0x17: {  	s4 =	simm.s32 $0x1BF5;
	[smem:$0x3FB2] =	sst s0  }
0x18: {  	s0 =	sld [smem:$0x3F95];
	_ =	swait.ge [sflag:s4], $0x0  }
0x19: {  	s7 =	sld [smem:$0x3F96]  }
0x1a: {  	s8 =	sadd.s32 $0xFFFFE003, lr  }
0x1b: {  	s9 =	sadd.s32 $0xFFFFFEF7, lr;
	s5 =	simm.s32 $0xFFFFFFFF;
	p2 =	slt.u32 s8, $0xFFFFF086  }
0x1c: {  	p1 =	slt.u32 s9, $0xF7A;
	s5 =	simm.s32 @!p2 $0x0  }
0x1d: {  	s5 =	simm.s32 @p1 $0x1;
	p0 =	seq.s32 s7, s2  }
0x1e: {  	s7 =	smul.u32 @!p0 $0xF7A, s2;
	p2 =	seq.s32 @!p0 s5, $0x0  }
0x1f: {  	s9 =	smul.u32 $0xF7A, s1;
	s8 =	simm.s32 @!p0 $0x1BF5;
	p2 =	por !p2, p0  }
0x20: {  	[sflag:s8] =	ssyncset.s32 @!p0 $0xFFFFF086;
	s6 =	sadd.s32 @!p0 s3, s7;
	s7 =	simm.s32 @!p0 $0x108  }
0x21: {  	s3 =	sadd.s32 s3, s9;
	s6 =	sadd.s32 @!p0 $0x88, s6;
	s7 =	simm.s32 @p2 $0x1082  }
0x22: {  	[simem:s7], [sflag:s8] =	dma.local @!p0 [hbm:s6], $0xF7A  }
0x23: {  	s9 =	sor.u32 $0xD0000000, s2;
	s6 =	simm.s32 $0x108;
	_ =	swait.ge @!p0 [sflag:s8], $0x0  }
0x24: {  	s3 =	sadd.s32 $0x88, s3;
	s6 =	simm.s32 @!p1 $0x1082;
	[sflag:s4] =	ssyncset.s32 $0xFFFFF086  }
0x25: {  	[simem:s6], [sflag:s4] =	dma.local [hbm:s3], $0xF7A  }
0x26: {  	[smem:$0x3F96] =	sst s1;
	(tag) =	ssettag s2;
	_ =	strace s9  }
0x27: {  	s1 =	sld [smem:$0x3FA6]  }
0x28: {  	s2 =	sld [smem:$0x3FA7]  }
0x29: {  	s4 =	sld [smem:$0x3FA9]  }
0x2a: {  	p0 =	seq.s32 s5, $0x0;
	s5 =	sld [smem:$0x3FAA]  }
0x2b: {  	s6 =	sld [smem:$0x3FAB]  }
0x2c: {  	s7 =	sld [smem:$0x3FAC]  }
0x2d: {  	s3 =	simm.s32 $0x108;
	s8 =	sld [smem:$0x3FAD]  }
0x2e: {  	s3 =	simm.s32 @!p0 $0x1082;
	s9 =	sld [smem:$0x3FAE]  }
0x2f: {  	lr =	sadd.s32 s0, s3;
	s0 =	sld [smem:$0x3FA5]  }
0x30: {  	s3 =	sld [smem:$0x3FA8]  }
0x31: {  	[smem:$0x3FB1] =	sst s10  }
0x32: {  	s10 =	sld [smem:$0x3FAF];
	_ =	sdelay $0x3  }
0x33: {  	p0 =	seq.s32 s10, $0x1;
	s10 =	sld [smem:$0x3FB1];
	_ =	sdelay $0x3  }
0x34: {  	[smem:$0x3FB1] =	sst s10  }
0x35: {  	s10 =	sld [smem:$0x3FB0];
	_ =	sdelay $0x3  }
0x36: {  	p1 =	seq.s32 s10, $0x1;
	s10 =	sld [smem:$0x3FB1];
	_ =	sdelay $0x3  }
0x37: {  	[smem:$0x3FB1] =	sst s10  }
0x38: {  	s10 =	sld [smem:$0x3FB2]  }
0x39: {  	_ = 	snop;
	(pc) =	sbr.ind lr, $3  }
0x3a: {  	_ = 	snop  }
0x3b: {  	_ = 	snop  }
0x3c: {  	p2 =	seq.s32 s10, $0x1;
	s10 =	sld [smem:$0x3FB1]  }
0x3d: {  	_ =	shalt  }
0x3e: {  	_ =	shalt  }
0x3f: {  	_ =	shalt  }
0x40: {  	_ =	shalt  }
0x41: {  	_ =	shalt  }
0x42: {  	_ =	shalt  }
0x43: {  	_ =	shalt  }
0x44: {  	_ =	shalt  }
0x45: {  	_ =	shalt  }
0x46: {  	_ =	shalt  }
0x47: {  	_ =	shalt  }
0x48: {  	_ =	shalt  }
0x49: {  	_ =	shalt  }
0x4a: {  	_ =	shalt  }
0x4b: {  	_ =	shalt  }
0x4c: {  	_ =	shalt  }
0x4d: {  	_ =	shalt  }
0x4e: {  	_ =	shalt  }
0x4f: {  	_ =	shalt  }
0x50: {  	_ =	shalt  }
0x51: {  	_ =	shalt  }
0x52: {  	_ =	shalt  }
0x53: {  	_ =	shalt  }
0x54: {  	_ =	shalt  }
0x55: {  	_ =	shalt  }
0x56: {  	_ =	shalt  }
0x57: {  	_ =	shalt  }
0x58: {  	_ =	shalt  }
0x59: {  	_ =	shalt  }
0x5a: {  	_ =	shalt  }
0x5b: {  	_ =	shalt  }
0x5c: {  	_ =	shalt  }
0x5d: {  	_ =	shalt  }
0x5e: {  	_ =	shalt  }
0x5f: {  	_ =	shalt  }
0x60: {  	_ =	shalt  }
0x61: {  	_ =	shalt  }
0x62: {  	_ =	shalt  }
0x63: {  	_ =	shalt  }
0x64: {  	_ =	shalt  }
0x65: {  	_ =	shalt  }
0x66: {  	_ =	shalt  }
0x67: {  	_ =	shalt  }
0x68: {  	_ =	shalt  }
0x69: {  	_ =	shalt  }
0x6a: {  	_ =	shalt  }
0x6b: {  	_ =	shalt  }
0x6c: {  	_ =	shalt  }
0x6d: {  	_ =	shalt  }
0x6e: {  	_ =	shalt  }
0x6f: {  	_ =	shalt  }
0x70: {  	_ =	shalt  }
0x71: {  	_ =	shalt  }
0x72: {  	_ =	shalt  }
0x73: {  	_ =	shalt  }
0x74: {  	_ =	shalt  }
0x75: {  	_ =	shalt  }
0x76: {  	_ =	shalt  }
0x77: {  	_ =	shalt  }
0x78: {  	_ =	shalt  }
0x79: {  	_ =	shalt  }
0x7a: {  	_ =	shalt  }
0x7b: {  	_ =	shalt  }
0x7c: {  	_ =	shalt  }
0x7d: {  	_ =	shalt  }
0x7e: {  	_ =	shalt  }
0x7f: {  	_ =	shalt  }
0x80: {  	_ =	shalt  }
0x81: {  	_ =	shalt  }
0x82: {  	_ =	shalt  }
0x83: {  	_ =	shalt  }
0x84: {  	_ =	shalt  }
0x85: {  	_ =	shalt  }
0x86: {  	_ =	shalt  }
0x87: {  	_ =	shalt  }
.Lfunc_end0:
.L_simem_size_0:
called_computation.1_lowered:
.L_overlay_start_0:
0x88: {  	s2 =	sld [smem:$0x3FD9]  }
0x89: {  	s3 =	sld [smem:$0x3FFE];
	_ =	sdelay $0x1  }
0x8a: {  	s1 =	srdreg.scid  }
0x8b: {  	s0 =	sand.u32 $0x1, s1  }
0x8c: {  	s17 =	sshll.u32 s0, $0xA;
	s2 =	sadd.s32 s3, s2  }
0x8d: {  	s2 =	sadd.s32 s2, s17  }
0x8e: {  	[smem:$0x3FBD] =	sst s2  }
0x8f: {  	_ = 	snop  }
0x90: {  	s2 =	sld [smem:$0x3FD0];
	(tm) =	ssettm $0x1  }
0x91: {  	s18 =	sld [smem:$0x3FFB];
	_ =	sdelay $0x3  }
0x92: {  	_ =	strace s18  }
0x93: {  	s3 =	sld [smem:$0x3FFC];
	_ =	sdelay $0x3  }
0x94: {  	_ =	strace s3  }
0x95: {  	s3 =	sld [smem:$0x3FFD];
	_ =	sdelay $0x3  }
0x96: {  	_ =	strace s3  }
0x97: {  	_ =	strace $0x8FFFFFFF  }
0x98: {  	s19 =	sld [smem:$0x3FDB];
	_ =	sdelay $0x1  }
0x99: {  	s4 =	simm.s32 $_scs_section_size  }
0x9a: {  	s5 =	simm.s32 $_size__tile_overlayer_lowered;
	s6 =	simm.s32 $_tile_overlayer_lowered  }
0x9b: {  	s22 =	simm.s32 $0x1BFF;
	s21 =	sshll.u32 s6, $0x1;
	s3 =	sadd.s32 s4, s19  }
0x9c: {  	s7 =	simm.s32 $0x0;
	s20 =	sshll.u32 s5, $0x1;
	s5 =	sadd.s32 s21, s3  }
0x9d: {  	[timem:s7], [sflag:s22] =	dma.local [hbm:s5], s20  }
0x9e: {  	_ =	swait.ge [sflag:s22], s20  }
0x9f: {  	s4 =	ssub.s32 $0x0, s20;
	[sflag:s22] =	ssyncset.done $0x0  }
0xa0: {  	[sflag:s22] =	ssyncadd.s32 s4;
	_ =	sdelay $0x1  }
0xa1: {  	s23 =	simm.s32 $0x1B8B  }
0xa2: {  	_ =	swait.ge [sflag:s23], $0x1  }
0xa3: {  	[sflag:s23] =	ssyncset.done $0x0  }
0xa4: {  	s25 =	simm.s32 $0x1B8E;
	s24 =	sld [smem:$0x3FFE];
	[sflag:s23] =	ssyncadd.s32 $0xFFFFFFFF  }
0xa5: {  	s26 =	simm.s32 $execute0_lowered;
	[smem:$0x3FD2] =	sst s25  }
0xa6: {  	s5 =	sshll.u32 s26, $0x1;
	_ =	strace $0x80000049;
	[dreg:$0x1] =	wrdreg $0xFFFFFFFF  }
0xa7: {  	s28 =	simm.s32 $_size_execute0_lowered;
	s3 =	sadd.s32 s3, s5;
	[dreg:$0x0] =	wrdreg $0x0  }
0xa8: {  	s5 =	sshll.u32 s28, $0x1;
	[dreg:$0x2] =	wrdreg s3  }
0xa9: {  	[dreg:$0x3] =	wrdreg s5  }
0xaa: {  	[dreg:$0x4] =	wrdreg $0xC0  }
0xab: {  	_ =	task [dreg:s7], $0x5FFFF  }
0xac: {  	[dreg:$0x1] =	wrdreg $0xFFFFFFFF  }
0xad: {  	[dreg:$0x0] =	wrdreg $0x60  }
0xae: {  	[dreg:$0x2] =	wrdreg s24  }
0xaf: {  	[dreg:$0x3] =	wrdreg s2  }
0xb0: {  	[dreg:$0x4] =	wrdreg $0x90000  }
0xb1: {  	[dreg:$0x5] =	wrdreg $0x9  }
0xb2: {  	_ =	task.clear_ibuf [dreg:s7], $0x6FFFF;
	_ =	strace $0x90000049  }
0xb3: {  	s29 =	simm.s32 $0x9;
	_ =	strace $0x8000004B  }
0xb4: {  	_ =	swait.ge [sflag:s29], $0x1  }
0xb5: {  	[sflag:s29] =	ssyncadd.s32 $0xFFFFFFFF  }
0xb6: {  	_ =	strace $0x9000004B  }
0xb7: {  	_ =	sfence  }
0xb8: {  	s30 =	sld [smem:$0x0];
	_ =	sdelay $0x2  }
0xb9: {  	s31 =	sshll.u32 s1, $0xD;
	s1 =	sshrl.u32 s1, $0x2  }
0xba: {  	s3 =	sand.u32 $0x4000, s31;
	s1 =	sadd.s32 s1, s30  }
0xbb: {  	s0 =	sor.u32 s3, s0;
	s1 =	sshll.u32 s1, $0x11  }
0xbc: {  	s0 =	sor.u32 s1, s0  }
0xbd: {  	s0 =	sadd.s32 $0x8F2B, s0  }
0xbe: {  	[sflag:s0] =	ssyncadd.remote.s32 $0x1  }
0xbf: {  	_ =	sfence.sel $0xFFFF  }
0xc0: {  	[dreg:$0x0] =	wrdreg $0xFFFFFFFF;
	(pc) =	sbr.abs _section_cstart, $3  }
0xc1: {  	[dreg:$0x1] =	wrdreg $0xFFFFFFFF  }
0xc2: {  	_ =	task.clear_ibuf [dreg:s7], $0x2FFFF;
	_ =	strace $0x9FFFFFFF  }
0xc3: {  	(tm) =	ssettm $0x7FFFFFFF  }
tec
execute0_lowered:
.L_overlay_start_1:
0x0: {  	(tag) =	ssettag $0x1  }
0x1: {  	s6 =	rddreg [dreg:$0x0]  }
0x2: {  	s1 =	rddreg [dreg:$0x1]  }
0x3: {  	s2 =	rddreg [dreg:$0x2]  }
0x4: {  	s0 =	rddreg [dreg:$0x3];
	s4 =	simm.s32 $0x0  }
0x5: {  	s3 =	srdreg.scid;
	s15 =	simm.s32 $0x4000;
	s16 =	simm.s32 $0x6800  }
0x6: {  	s17 =	simm.s32 $0x1;
	s18 =	simm.s32 $0x50;
	s7 =	sand.u32 $0x1, s3  }
0x7: {  	s19 =	simm.s32 $0x2;
	s3 =	stileid.u32;
	s8 =	smul.u32 $0x140000, s7  }
0x8: {  	s20 =	simm.s32 $0x3E00;
	s21 =	simm.s32 $0x0;
	s9 =	smul.u32 $0x14000, s3  }
0x9: {  	[smem:$0x7FF] =	sst s4;
	s5 =	sadd.s32 $0x771C00, s6;
	s10 =	smul.u32 $0x50000, s3  }
0xa: {  	_ =	strace $0x8000004A;
	s11 =	sshll.u32 s3, $0xB;
	s24 =	smul.u32 $0x1388000, s7  }
0xb: {  	s7 =	ssub.s32 $0x2, s7;
	s12 =	smul.u32 $0x138800, s3;
	s31 =	sshll.u32 s3, $0x6  }
0xc: {  	s11 =	sadd.s32 s11, s6;
	s25 =	sshrl.u32 s7, $0x1;
	s8 =	sadd.s32 s9, s8  }
0xd: {  	s13 =	ssub.s32 s7, s25;
	s26 =	sshrl.u32 s10, $0x2;
	s28 =	sadd.s32 s12, s24  }
0xe: {  	s12 =	simm.s32 $0x3;
	s8 =	sshrl.u32 s8, $0x3;
	s14 =	sadd.s32 s26, s2  }
0xf: {  	s29 =	sshrl.u32 s28, $0x3;
	s30 =	sadd.s32 $0x2800, s28;
	s9 =	smax.u32 s13, $0x1  }
0x10: {  	s10 =	sadd.s32 $0x5000, s28;
	s13 =	sor.u32 $0x1C03, s31;
	s8 =	sadd.s32 s8, s6  }
0x11: {  	s6 =	sadd.s32 $0x769C00, s11;
	s7 =	sadd.s32 s5, s29;
	s11 =	sshrl.u32 s30, $0x3  }
0x12: {  	s14 =	sshrl.u32 s14, $0x3;
	s8 =	sadd.s32 $0x1C00, s8;
	s11 =	sadd.s32 s11, s5  }
.LBB2_1:
0x13: {  	[tilespmem:s4], [sflag:$0x3] =	stream.linear.gather [hbm4b:s6+s4], $0x3E80, $0x38;
	[tilespmem:$0x1D000] =	vst v63  }
0x14: {  	_ =	swait.ge [sflag:s12], $0x3E80  }
0x15: {  	[sflag:s12] =	ssyncset.done $0x0  }
0x16: {  	[sflag:s12] =	ssyncadd.s32 $0xFFFFC180  }
0x17: {  	[spmem:s14], [sflag:s13] =	dma.local [hbm:s1], $0x2800  }
0x18: {  	_ =	swait.ge [sflag:s12], $0x2800  }
0x19: {  	[sflag:s12] =	ssyncset.done $0x0  }
0x1a: {  	[sflag:s12] =	ssyncadd.s32 $0xFFFFD800  }
0x1b: {  	[bflag:$0x0] =	sbarrier.arrive $0xFFFF  }
0x1c: {  	[tilespmem:s15], [sflag:$0x1] =	stream.linear.gather [hbm4b:s7+s4], $0x2800, $0x38;
	[tilespmem:$0x1D000] =	vst v63  }
0x1d: {  	s22 =	sadd.s32 $0x0, s11  }
0x1e: {  	[tilespmem:s16], [sflag:$0x2] =	stream.linear.gather [hbm4b:s22+s4], $0x2800, $0x38;
	[tilespmem:$0x1D000] =	vst v63  }
0x1f: {  	_ =	swait.ge [sflag:s17], $0x2800  }
0x20: {  	[sflag:s17] =	ssyncset.done $0x0  }
0x21: {  	[sflag:s17] =	ssyncadd.s32 $0xFFFFD800  }
0x22: {  	[spmem:s2] =	stream.indirect.scatter.add.f32 [tilespmem:s15], [sflag:$0x3], $0x80, s4, s18, $0xb8;
	[tilespmem:$0x1D000] =	vst v63  }
0x23: {  	_ =	swait.ge [sflag:s12], $0x2800  }
0x24: {  	s30 =	sshrl.u32 s10, $0x3;
	[sflag:s12] =	ssyncset.done $0x0  }
0x25: {  	s22 =	sadd.s32 s5, s30;
	[sflag:s12] =	ssyncadd.s32 $0xFFFFD800  }
0x26: {  	[tilespmem:s15], [sflag:$0x1] =	stream.linear.gather [hbm4b:s22+s4], $0x2800, $0x38;
	[tilespmem:$0x1D000] =	vst v63  }
0x27: {  	_ =	swait.ge [sflag:s19], $0x2800  }
0x28: {  	[sflag:s19] =	ssyncset.done $0x0  }
0x29: {  	s31 =	simm.s32 $0x80;
	[sflag:s19] =	ssyncadd.s32 $0xFFFFD800  }
0x2a: {  	[spmem:s2] =	stream.indirect.scatter.add.f32 [tilespmem:s16], [sflag:$0x3], $0x80, s31, s18, $0xb8;
	[tilespmem:$0x1D000] =	vst v63  }
0x2b: {  	s24 =	simm.s32 $0xA00;
	s25 =	simm.s32 $0x1400;
	_ =	swait.ge [sflag:s12], $0x2800  }
0x2c: {  	s23 =	sadd.s32 $0x5000, s10;
	s22 =	simm.s32 $0x100;
	[sflag:s12] =	ssyncset.done $0x0  }
.LBB2_2:
0x2d: {  	s26 =	sadd.s32 s24, s11  }
0x2e: {  	[sflag:s12] =	ssyncadd.s32 $0xFFFFD800;
	s24 =	smov.u32 s25;
	s28 =	sadd.s32 $0xA00, s25  }
0x2f: {  	[tilespmem:s16], [sflag:$0x2] =	stream.linear.gather [hbm4b:s26+s4], $0x2800, $0x38;
	[tilespmem:$0x1D000] =	vst v63  }
0x30: {  	p0 =	sne.s32 s25, $0x26200;
	_ =	swait.ge [sflag:s17], $0x2800  }
0x31: {  	[sflag:s17] =	ssyncset.done $0x0  }
0x32: {  	[sflag:s17] =	ssyncadd.s32 $0xFFFFD800  }
0x33: {  	[spmem:s2] =	stream.indirect.scatter.add.f32 [tilespmem:s15], [sflag:$0x3], $0x80, s22, s18, $0xb8;
	[tilespmem:$0x1D000] =	vst v63  }
0x34: {  	_ =	swait.ge [sflag:s12], $0x2800  }
0x35: {  	s25 =	sshrl.u32 s23, $0x3;
	[sflag:s12] =	ssyncset.done $0x0  }
0x36: {  	s25 =	sadd.s32 s5, s25;
	[sflag:s12] =	ssyncadd.s32 $0xFFFFD800  }
0x37: {  	[tilespmem:s15], [sflag:$0x1] =	stream.linear.gather [hbm4b:s25+s4], $0x2800, $0x38;
	[tilespmem:$0x1D000] =	vst v63  }
0x38: {  	_ =	swait.ge [sflag:s19], $0x2800  }
.Ltmp0:
0x39: {  	[sflag:s19] =	ssyncset.done $0x0;
	(pc) =	sbr.rel @p0 .LBB2_2-.Ltmp0, $4  }
0x3a: {  	s25 =	sadd.s32 $0x80, s22;
	[sflag:s19] =	ssyncadd.s32 $0xFFFFD800  }
0x3b: {  	[spmem:s2] =	stream.indirect.scatter.add.f32 [tilespmem:s16], [sflag:$0x3], $0x80, s25, s18, $0xb8;
	[tilespmem:$0x1D000] =	vst v63  }
0x3c: {  	s23 =	sadd.s32 $0x5000, s23;
	_ =	swait.ge [sflag:s12], $0x2800  }
0x3d: {  	s22 =	sadd.s32 $0x100, s22;
	s25 =	smov.u32 s28;
	[sflag:s12] =	ssyncset.done $0x0  }
0x3e: {  	s24 =	sadd.s32 s24, s11;
	[sflag:s12] =	ssyncadd.s32 $0xFFFFD800  }
0x3f: {  	[tilespmem:s16], [sflag:$0x2] =	stream.linear.gather [hbm4b:s24+s4], $0x2800, $0x38;
	[tilespmem:$0x1D000] =	vst v63  }
0x40: {  	_ =	swait.ge [sflag:s17], $0x2800  }
0x41: {  	[sflag:s17] =	ssyncset.done $0x0  }
0x42: {  	[sflag:s17] =	ssyncadd.s32 $0xFFFFD800  }
0x43: {  	[spmem:s2] =	stream.indirect.scatter.add.f32 [tilespmem:s15], [sflag:$0x3], $0x80, s22, s18, $0xb8;
	[tilespmem:$0x1D000] =	vst v63  }
0x44: {  	_ =	swait.ge [sflag:s12], $0x2800  }
0x45: {  	s23 =	sshrl.u32 s23, $0x3;
	[sflag:s12] =	ssyncset.done $0x0  }
0x46: {  	s23 =	sadd.s32 s5, s23;
	[sflag:s12] =	ssyncadd.s32 $0xFFFFD800  }
0x47: {  	[tilespmem:s15], [sflag:$0x1] =	stream.linear.gather [hbm4b:s23+s4], $0x2800, $0x38;
	[tilespmem:$0x1D000] =	vst v63  }
0x48: {  	_ =	swait.ge [sflag:s19], $0x2800  }
0x49: {  	[sflag:s19] =	ssyncset.done $0x0  }
0x4a: {  	s31 =	sadd.s32 $0x80, s22;
	[sflag:s19] =	ssyncadd.s32 $0xFFFFD800  }
0x4b: {  	[spmem:s2] =	stream.indirect.scatter.add.f32 [tilespmem:s16], [sflag:$0x3], $0x80, s31, s18, $0xb8;
	[tilespmem:$0x1D000] =	vst v63  }
0x4c: {  	_ =	swait.ge [sflag:s12], $0x2800  }
0x4d: {  	[sflag:s12] =	ssyncset.done $0x0  }
0x4e: {  	[sflag:s12] =	ssyncadd.s32 $0xFFFFD800  }
0x4f: {  	_ =	swait.ge [sflag:s17], $0x2800  }
0x50: {  	[sflag:s17] =	ssyncset.done $0x0  }
0x51: {  	[sflag:s17] =	ssyncadd.s32 $0xFFFFD800  }
0x52: {  	[spmem:s2] =	stream.indirect.scatter.add.f32 [tilespmem:s15], [sflag:$0x3], $0x80, s20, s18, $0xb8;
	[tilespmem:$0x1D000] =	vst v63  }
0x53: {  	_ =	swait.ge [sflag:s12], $0x2800  }
0x54: {  	s21 =	sadd.s32 $0x1, s21;
	[sflag:s12] =	ssyncset.done $0x0  }
0x55: {  	p0 =	sne.s32 s21, s9;
	[sflag:s12] =	ssyncadd.s32 $0xFFFFD800  }
.Ltmp1:
0x56: {  	[bflag:$0x0] =	sbarrier.arrive $0xFFFF;
	(pc) =	sbr.rel @p0 .LBB2_1-.Ltmp1, $4  }
0x57: {  	[hbm:s8], [sflag:s13] =	dma.local [spmem:s14], $0x2800  }
0x58: {  	_ =	swait.ge [sflag:s12], $0x2800  }
0x59: {  	[sflag:s12] =	ssyncset.done $0x0  }
0x5a: {  	[sflag:s12] =	ssyncadd.s32 $0xFFFFD800  }
0x5b: {  	_ =	sfence.sel $0x180000  }
0x5c: {  	[bflag:$0x0] =	sbarrier.arrive $0xFFFF  }
0x5d: {  	p0 =	sne.s32 s3, $0x0;
	_ =	strace $0x9000004A  }
0x5e: {  	s0 =	sadd.s32 @!p0 $0x100000, s0;
	[bflag:$0x2] =	sbarrier.arrive $0xFFFF  }
0x5f: {  	[sflag:s0] =	ssyncadd.tile.s32 @!p0 $0x1;
	_ =	shalt  }
.Lfunc_end2:
_tile_overlayer_lowered:
.L_overlay_start_2:
0x60: {  	(tag) =	ssettag $0x2  }
0x61: {  	s0 =	rddreg [dreg:$0x0];
	s2 =	stileid.u32  }
0x62: {  	s1 =	rddreg [dreg:$0x1];
	p0 =	sne.s32 s2, $0x0  }
0x63: {  	s3 =	rddreg [dreg:$0x2];
	[bflag:$0x3] =	sbarrier.arrive $0xFFFF;
	s2 =	simm.s32 @!p0 $0x1C03  }
0x64: {  	[timem:s3], [sflag:s2] =	dma.local @!p0 [hbm:s0], s1  }
0x65: {  	s0 =	simm.s32 @!p0 $0x3  }
0x66: {  	_ =	swait.ge @!p0 [sflag:s0], s1  }
0x67: {  	s1 =	ssub.s32 @!p0 $0x0, s1;
	[sflag:s0] =	ssyncset.done @!p0 $0x0  }
0x68: {  	[sflag:s0] =	ssyncadd.s32 @!p0 s1  }
0x69: {  	[bflag:$0x3] =	sbarrier.arrive $0xFFFF  }
0x6a: {  	_ =	shalt  }

</sc_bundles>
